<compile_context>
chip_gen: v7x
topology: tpu7x:2x2x1
jax: 0.10.2.dev20260603
libtpu: 0.0.44.dev20260713+nightly
codegen_flags: <defaults>
</compile_context>

<pallas_src>
import functools

import jax
import jax.numpy as jnp
from jax import lax
from jax.experimental import pallas as pl
from jax.experimental.pallas import tpu as pltpu
from jax.experimental.pallas import tpu_sc as plsc

N_TOKENS = 16384
N_CODES = 8192
DIM = 256
COMMIT = 0.25

HALF = N_TOKENS // 2
M_BLK = 1024
H_BLOCKS = HALF // M_BLK

L_BLK = 2048
L_BLOCKS = HALF // L_BLK

NC, NS = 2, 16
NW = NC * NS
ROWS_PER_W = HALF // NW
CHUNK = 128
N_CHUNKS = ROWS_PER_W // CHUNK


def _argmax_scores(x_ref, cbn, idx_ref):
    x = x_ref[...]
    nrm = jnp.clip(jnp.sqrt(jnp.sum(x * x, axis=1, keepdims=True)),
                   1e-8, None)
    xn = x / nrm
    s = lax.dot_general(xn, cbn, (((1,), (1,)), ((), ())),
                        preferred_element_type=jnp.float32)
    idx_ref[0, 0, :] = jnp.argmax(s, axis=1).astype(jnp.int32)


def _argmax_first_body(x_ref, cb_ref, idx_ref, cbu_ref, cbn_ref):
    @pl.when(pl.program_id(0) == 0)
    def _():
        cb = cb_ref[...]
        cn = jnp.clip(jnp.sqrt(jnp.sum(cb * cb, axis=1, keepdims=True)),
                      1e-8, None)
        cbn_ref[...] = cb / cn
        cbu_ref[...] = cb.reshape(N_CODES // 4, 8, 128)

    _argmax_scores(x_ref, cbn_ref[...], idx_ref)


def _argmax_second_body(x_ref, cbn_ref, idx_ref):
    _argmax_scores(x_ref, cbn_ref[...], idx_ref)


def _argmax_first(x, cb):
    return pl.pallas_call(
        _argmax_first_body,
        grid=(H_BLOCKS,),
        in_specs=[
            pl.BlockSpec((M_BLK, DIM), lambda i: (i, 0)),
            pl.BlockSpec((N_CODES, DIM), lambda i: (0, 0)),
        ],
        out_specs=[
            pl.BlockSpec((1, 1, M_BLK), lambda i: (i, 0, 0)),
            pl.BlockSpec((N_CODES // 4, 8, 128), lambda i: (0, 0, 0)),
            pl.BlockSpec((N_CODES, DIM), lambda i: (0, 0)),
        ],
        out_shape=[
            jax.ShapeDtypeStruct((H_BLOCKS, 1, M_BLK), jnp.int32),
            jax.ShapeDtypeStruct((N_CODES // 4, 8, 128), jnp.float32),
            jax.ShapeDtypeStruct((N_CODES, DIM), jnp.float32),
        ],
        compiler_params=pltpu.CompilerParams(vmem_limit_bytes=110 * 2**20),
    )(x, cb)


def _argmax_second(x, cbn):
    return pl.pallas_call(
        _argmax_second_body,
        grid=(H_BLOCKS,),
        in_specs=[
            pl.BlockSpec((M_BLK, DIM), lambda i: (i + H_BLOCKS, 0)),
            pl.BlockSpec((N_CODES, DIM), lambda i: (0, 0)),
        ],
        out_specs=pl.BlockSpec((1, 1, M_BLK), lambda i: (i, 0, 0)),
        out_shape=jax.ShapeDtypeStruct((H_BLOCKS, 1, M_BLK), jnp.int32),
        compiler_params=pltpu.CompilerParams(vmem_limit_bytes=110 * 2**20),
    )(x, cbn)


def _loss_first_body(x_ref, qv_ref, q_ref, acc_ref):
    q = qv_ref[...].reshape(L_BLK, DIM)
    q_ref[...] = q
    d = q - x_ref[...]

    @pl.when(pl.program_id(0) == 0)
    def _():
        acc_ref[0, 0] = 0.0

    acc_ref[0, 0] += jnp.sum(d * d)


def _loss_second_body(x_ref, qv_ref, qin_ref, q_ref, acc_ref):
    del qin_ref
    _loss_first_body(x_ref, qv_ref, q_ref, acc_ref)


def _loss_half(x, qv, half, qprev=None):
    off = half * L_BLOCKS
    in_specs = [
        pl.BlockSpec((L_BLK, DIM), lambda i: (i + off, 0)),
        pl.BlockSpec((L_BLK // 4, 8, 128), lambda i: (i, 0, 0)),
    ]
    args = [x, qv]
    body = _loss_first_body
    aliases = {}
    if qprev is not None:
        in_specs.append(pl.BlockSpec(memory_space=pl.ANY))
        args.append(qprev)
        body = _loss_second_body
        aliases = {2: 0}
    return pl.pallas_call(
        body,
        grid=(L_BLOCKS,),
        in_specs=in_specs,
        out_specs=[
            pl.BlockSpec((L_BLK, DIM), lambda i: (i + off, 0)),
            pl.BlockSpec((1, 1), lambda i: (0, 0), memory_space=pltpu.SMEM),
        ],
        out_shape=[
            jax.ShapeDtypeStruct((N_TOKENS, DIM), jnp.float32),
            jax.ShapeDtypeStruct((1, 1), jnp.float32),
        ],
        input_output_aliases=aliases,
    )(*args)


def _gather_body(cb_hbm, idx_hbm, out_hbm, idx_v, rows_v, sem):
    wid = lax.axis_index("s") * NC + lax.axis_index("c")
    pltpu.sync_copy(idx_hbm.at[pl.ds(wid * N_CHUNKS, N_CHUNKS)], idx_v)
    for c in range(N_CHUNKS):
        pltpu.async_copy(cb_hbm.at[idx_v.at[c]], rows_v, sem).wait()
        pltpu.sync_copy(
            rows_v, out_hbm.at[pl.ds(wid * ROWS_PER_W + c * CHUNK, CHUNK)])


@functools.lru_cache(maxsize=None)
def _sc_gather():
    return pl.kernel(
        _gather_body,
        out_type=jax.ShapeDtypeStruct((HALF, DIM), jnp.float32),
        mesh=plsc.VectorSubcoreMesh(core_axis_name="c", subcore_axis_name="s",
                                    num_cores=NC, num_subcores=NS),
        scratch_types=[
            pltpu.VMEM((N_CHUNKS, CHUNK), jnp.int32),
            pltpu.VMEM((CHUNK, DIM), jnp.float32),
            pltpu.SemaphoreType.DMA,
        ],
        compiler_params=pltpu.CompilerParams(use_tc_tiling_on_sc=False),
    )


def kernel(inputs, codebook):
    idx3a, cbu3, cbn = _argmax_first(inputs, codebook)
    idx3b = _argmax_second(inputs, cbn)

    cbu = cbu3.reshape(N_CODES, DIM)
    g0 = _sc_gather()(cbu, idx3a.reshape(NW * N_CHUNKS, CHUNK))
    g1 = _sc_gather()(cbu, idx3b.reshape(NW * N_CHUNKS, CHUNK))

    qv0 = g0.reshape(HALF // 4, 8, 128)
    qv1 = g1.reshape(HALF // 4, 8, 128)

    qhalf, p0 = _loss_half(inputs, qv0, 0)
    quantized, p1 = _loss_half(inputs, qv1, 1, qprev=qhalf)

    m = (p0[0, 0] + p1[0, 0]) / (N_TOKENS * DIM)
    loss = m + COMMIT * m
    return quantized, loss

# --- scband reference (transcript-rebuilt; emitter-appended) ---
"""Pipeline reference for scband-vector-quantizer-16939351015690 (READ-ONLY COPY).

The authoritative reference and input builder live on the scoring server;
editing this copy changes nothing except your own understanding.
"""

import jax, jax.numpy as jnp
import numpy as np

NUM_EMBEDDINGS = 8192
EMBEDDING_DIM = 256
COMMITMENT_COST = 0.25


def setup_inputs(seed: int = 0) -> dict:
    key = jax.random.key(seed)
    k1, k2 = jax.random.split(key)
    inputs = jax.random.normal(k1, (16384, EMBEDDING_DIM), dtype=jnp.float32)
    codebook = jax.random.normal(k2, (NUM_EMBEDDINGS, EMBEDDING_DIM), dtype=jnp.float32)
    return {"inputs": inputs, "codebook": codebook}


def _pairwise_cosine_similarity(x, y):
    xn = x / jnp.clip(jnp.linalg.norm(x, axis=1, keepdims=True), 1e-8, None)
    yn = y / jnp.clip(jnp.linalg.norm(y, axis=1, keepdims=True), 1e-8, None)
    return xn @ yn.T


def reference(inputs, codebook):
    cosine_similarities = _pairwise_cosine_similarity(inputs, codebook)
    cosine_distances = -cosine_similarities
    encoding_indices = jnp.argmin(cosine_distances, axis=1)
    quantized = jnp.take(codebook, encoding_indices, axis=0)
    loss = jnp.mean((jax.lax.stop_gradient(quantized) - inputs) ** 2) \
        + COMMITMENT_COST * jnp.mean((quantized - jax.lax.stop_gradient(inputs)) ** 2)
    quantized = inputs + (quantized - inputs)
    return quantized, loss

if __name__ == "__main__":
    import jax
    _d = setup_inputs()
    print(jax.jit(kernel)(*tuple(_d.values())))

</pallas_src>

<mosaic_0001>
#map = affine_map<(d0, d1) -> (0, 0)>
module attributes {stable_mosaic.version = 14 : i64} {
  func.func @_gather_body(%arg0: i32, %arg1: i32, %arg2: memref<8192x256xf32, #tpu.memory_space<hbm>>, %arg3: memref<64x128xi32, #tpu.memory_space<hbm>>, %arg4: memref<8192x256xf32, #tpu.memory_space<hbm>>, %arg5: memref<2x128xi32, #tpu.memory_space<vmem>>, %arg6: memref<128x256xf32, #tpu.memory_space<vmem>>, %arg7: memref<!tpu.dma_semaphore, #tpu.memory_space<semaphore_mem>>) attributes {dimension_semantics = [#tpu.dimension_semantics<core_parallel>, #tpu.dimension_semantics<subcore_parallel>], iteration_bounds = array<i64: 2, 16>, scalar_prefetch = 0 : i64, scratch_operands = 3 : i64, tpu.core_type = #tpu.core_type<sc_vector_subcore>, window_params = [{transform_indices = #map}, {transform_indices = #map}, {transform_indices = #map}]} {
    %mul3A = arith.constant 2 : i32
    %mul3A_0 = arith.muli %arg1, %mul3A : i32
    %add3A = arith.addi %mul3A_0, %arg0 : i32
    %mul3A_1 = arith.constant 2 : i32
    %mul3A_2 = arith.muli %add3A, %mul3A_1 : i32
    "tpu.region"() ({
      %run_scoped3A = tpu.sem_alloc : memref<!tpu.dma_semaphore, #tpu.memory_space<semaphore_mem>>
      %dma_start3A_37 = arith.constant 0 : i32
      %dma_start3A_38 = tpu.memref_slice %arg3[%mul3A_2, %dma_start3A_37] : memref<64x128xi32, #tpu.memory_space<hbm>> -> memref<2x128xi32, #tpu.memory_space<hbm>>
      %dma_start3A_39 = arith.constant 0 : i32
      %dma_start3A_40 = tpu.memref_slice %arg3[%mul3A_2, %dma_start3A_39] : memref<64x128xi32, #tpu.memory_space<hbm>> -> memref<2x128xi32, #tpu.memory_space<hbm>>
      tpu.enqueue_dma source(%dma_start3A_40 : memref<2x128xi32, #tpu.memory_space<hbm>>) target(%arg5 : memref<2x128xi32, #tpu.memory_space<vmem>>) target_semaphore(%run_scoped3A : memref<!tpu.dma_semaphore, #tpu.memory_space<semaphore_mem>>)
      %dma_wait3A_41 = arith.constant 0 : i32
      %dma_wait3A_42 = tpu.memref_slice %arg3[%mul3A_2, %dma_wait3A_41] : memref<64x128xi32, #tpu.memory_space<hbm>> -> memref<2x128xi32, #tpu.memory_space<hbm>>
      %dma_wait3A_43 = arith.constant 0 : i32
      %dma_wait3A_44 = tpu.memref_slice %arg3[%mul3A_2, %dma_wait3A_43] : memref<64x128xi32, #tpu.memory_space<hbm>> -> memref<2x128xi32, #tpu.memory_space<hbm>>
      tpu.wait_dma2 semaphore(%run_scoped3A : memref<!tpu.dma_semaphore, #tpu.memory_space<semaphore_mem>>) src(%dma_wait3A_44 : memref<2x128xi32, #tpu.memory_space<hbm>>) dst(%arg5 : memref<2x128xi32, #tpu.memory_space<vmem>>)
      tpu.yield
    }) : () -> ()
    %dma_start3A = arith.constant 0 : i32
    %dma_start3A_3 = arith.constant 0 : i32
    %dma_start3A_4 = tpu.memref_slice %arg5[%dma_start3A, %dma_start3A_3] : memref<2x128xi32, #tpu.memory_space<vmem>> -> memref<1x128xi32, #tpu.memory_space<vmem>>
    %dma_start3A_5 = tpu.memref_squeeze %dma_start3A_4 : memref<1x128xi32, #tpu.memory_space<vmem>> -> memref<128xi32, #tpu.memory_space<vmem>>
    %dma_start3A_6 = arith.constant 0 : i32
    %dma_start3A_7 = arith.constant 0 : i32
    %dma_start3A_8 = tpu.memref_slice %arg2[%dma_start3A_6, %dma_start3A_7] : memref<8192x256xf32, #tpu.memory_space<hbm>> -> memref<8192x256xf32, #tpu.memory_space<hbm>>
    tpu.enqueue_indirect_dma source(%dma_start3A_8 : memref<8192x256xf32, #tpu.memory_space<hbm>>) target(%arg6 : memref<128x256xf32, #tpu.memory_space<vmem>>) offsets(%dma_start3A_5 : memref<128xi32, #tpu.memory_space<vmem>>) semaphore(%arg7 : memref<!tpu.dma_semaphore, #tpu.memory_space<semaphore_mem>>)
    %dma_wait3A = arith.constant 0 : i32
    %dma_wait3A_9 = arith.constant 0 : i32
    %dma_wait3A_10 = tpu.memref_slice %arg5[%dma_wait3A, %dma_wait3A_9] : memref<2x128xi32, #tpu.memory_space<vmem>> -> memref<1x128xi32, #tpu.memory_space<vmem>>
    %dma_wait3A_11 = tpu.memref_squeeze %dma_wait3A_10 : memref<1x128xi32, #tpu.memory_space<vmem>> -> memref<128xi32, #tpu.memory_space<vmem>>
    %dma_wait3A_12 = arith.constant 0 : i32
    %dma_wait3A_13 = arith.constant 0 : i32
    %dma_wait3A_14 = tpu.memref_slice %arg2[%dma_wait3A_12, %dma_wait3A_13] : memref<8192x256xf32, #tpu.memory_space<hbm>> -> memref<8192x256xf32, #tpu.memory_space<hbm>>
    tpu.wait_indirect_dma semaphore(%arg7 : memref<!tpu.dma_semaphore, #tpu.memory_space<semaphore_mem>>) src(%dma_wait3A_14 : memref<8192x256xf32, #tpu.memory_space<hbm>>) dst(%arg6 : memref<128x256xf32, #tpu.memory_space<vmem>>)
    %mul3A_15 = arith.constant 256 : i32
    %mul3A_16 = arith.muli %add3A, %mul3A_15 : i32
    %add3A_17 = arith.constant 0 : i32
    %add3A_18 = arith.addi %mul3A_16, %add3A_17 : i32
    "tpu.region"() ({
      %run_scoped3A = tpu.sem_alloc : memref<!tpu.dma_semaphore, #tpu.memory_space<semaphore_mem>>
      %dma_start3A_37 = arith.constant 0 : i32
      %dma_start3A_38 = tpu.memref_slice %arg4[%add3A_18, %dma_start3A_37] : memref<8192x256xf32, #tpu.memory_space<hbm>> -> memref<128x256xf32, #tpu.memory_space<hbm>>
      %dma_start3A_39 = arith.constant 0 : i32
      %dma_start3A_40 = tpu.memref_slice %arg4[%add3A_18, %dma_start3A_39] : memref<8192x256xf32, #tpu.memory_space<hbm>> -> memref<128x256xf32, #tpu.memory_space<hbm>>
      tpu.enqueue_dma source(%arg6 : memref<128x256xf32, #tpu.memory_space<vmem>>) target(%dma_start3A_40 : memref<128x256xf32, #tpu.memory_space<hbm>>) target_semaphore(%run_scoped3A : memref<!tpu.dma_semaphore, #tpu.memory_space<semaphore_mem>>)
      %dma_wait3A_41 = arith.constant 0 : i32
      %dma_wait3A_42 = tpu.memref_slice %arg4[%add3A_18, %dma_wait3A_41] : memref<8192x256xf32, #tpu.memory_space<hbm>> -> memref<128x256xf32, #tpu.memory_space<hbm>>
      %dma_wait3A_43 = arith.constant 0 : i32
      %dma_wait3A_44 = tpu.memref_slice %arg4[%add3A_18, %dma_wait3A_43] : memref<8192x256xf32, #tpu.memory_space<hbm>> -> memref<128x256xf32, #tpu.memory_space<hbm>>
      tpu.wait_dma2 semaphore(%run_scoped3A : memref<!tpu.dma_semaphore, #tpu.memory_space<semaphore_mem>>) src(%arg6 : memref<128x256xf32, #tpu.memory_space<vmem>>) dst(%dma_wait3A_44 : memref<128x256xf32, #tpu.memory_space<hbm>>)
      tpu.yield
    }) : () -> ()
    %dma_start3A_19 = arith.constant 1 : i32
    %dma_start3A_20 = arith.constant 0 : i32
    %dma_start3A_21 = tpu.memref_slice %arg5[%dma_start3A_19, %dma_start3A_20] : memref<2x128xi32, #tpu.memory_space<vmem>> -> memref<1x128xi32, #tpu.memory_space<vmem>>
    %dma_start3A_22 = tpu.memref_squeeze %dma_start3A_21 : memref<1x128xi32, #tpu.memory_space<vmem>> -> memref<128xi32, #tpu.memory_space<vmem>>
    %dma_start3A_23 = arith.constant 0 : i32
    %dma_start3A_24 = arith.constant 0 : i32
    %dma_start3A_25 = tpu.memref_slice %arg2[%dma_start3A_23, %dma_start3A_24] : memref<8192x256xf32, #tpu.memory_space<hbm>> -> memref<8192x256xf32, #tpu.memory_space<hbm>>
    tpu.enqueue_indirect_dma source(%dma_start3A_25 : memref<8192x256xf32, #tpu.memory_space<hbm>>) target(%arg6 : memref<128x256xf32, #tpu.memory_space<vmem>>) offsets(%dma_start3A_22 : memref<128xi32, #tpu.memory_space<vmem>>) semaphore(%arg7 : memref<!tpu.dma_semaphore, #tpu.memory_space<semaphore_mem>>)
    %dma_wait3A_26 = arith.constant 1 : i32
    %dma_wait3A_27 = arith.constant 0 : i32
    %dma_wait3A_28 = tpu.memref_slice %arg5[%dma_wait3A_26, %dma_wait3A_27] : memref<2x128xi32, #tpu.memory_space<vmem>> -> memref<1x128xi32, #tpu.memory_space<vmem>>
    %dma_wait3A_29 = tpu.memref_squeeze %dma_wait3A_28 : memref<1x128xi32, #tpu.memory_space<vmem>> -> memref<128xi32, #tpu.memory_space<vmem>>
    %dma_wait3A_30 = arith.constant 0 : i32
    %dma_wait3A_31 = arith.constant 0 : i32
    %dma_wait3A_32 = tpu.memref_slice %arg2[%dma_wait3A_30, %dma_wait3A_31] : memref<8192x256xf32, #tpu.memory_space<hbm>> -> memref<8192x256xf32, #tpu.memory_space<hbm>>
    tpu.wait_indirect_dma semaphore(%arg7 : memref<!tpu.dma_semaphore, #tpu.memory_space<semaphore_mem>>) src(%dma_wait3A_32 : memref<8192x256xf32, #tpu.memory_space<hbm>>) dst(%arg6 : memref<128x256xf32, #tpu.memory_space<vmem>>)
    %mul3A_33 = arith.constant 256 : i32
    %mul3A_34 = arith.muli %add3A, %mul3A_33 : i32
    %add3A_35 = arith.constant 128 : i32
    %add3A_36 = arith.addi %mul3A_34, %add3A_35 : i32
    "tpu.region"() ({
      %run_scoped3A = tpu.sem_alloc : memref<!tpu.dma_semaphore, #tpu.memory_space<semaphore_mem>>
      %dma_start3A_37 = arith.constant 0 : i32
      %dma_start3A_38 = tpu.memref_slice %arg4[%add3A_36, %dma_start3A_37] : memref<8192x256xf32, #tpu.memory_space<hbm>> -> memref<128x256xf32, #tpu.memory_space<hbm>>
      %dma_start3A_39 = arith.constant 0 : i32
      %dma_start3A_40 = tpu.memref_slice %arg4[%add3A_36, %dma_start3A_39] : memref<8192x256xf32, #tpu.memory_space<hbm>> -> memref<128x256xf32, #tpu.memory_space<hbm>>
      tpu.enqueue_dma source(%arg6 : memref<128x256xf32, #tpu.memory_space<vmem>>) target(%dma_start3A_40 : memref<128x256xf32, #tpu.memory_space<hbm>>) target_semaphore(%run_scoped3A : memref<!tpu.dma_semaphore, #tpu.memory_space<semaphore_mem>>)
      %dma_wait3A_41 = arith.constant 0 : i32
      %dma_wait3A_42 = tpu.memref_slice %arg4[%add3A_36, %dma_wait3A_41] : memref<8192x256xf32, #tpu.memory_space<hbm>> -> memref<128x256xf32, #tpu.memory_space<hbm>>
      %dma_wait3A_43 = arith.constant 0 : i32
      %dma_wait3A_44 = tpu.memref_slice %arg4[%add3A_36, %dma_wait3A_43] : memref<8192x256xf32, #tpu.memory_space<hbm>> -> memref<128x256xf32, #tpu.memory_space<hbm>>
      tpu.wait_dma2 semaphore(%run_scoped3A : memref<!tpu.dma_semaphore, #tpu.memory_space<semaphore_mem>>) src(%arg6 : memref<128x256xf32, #tpu.memory_space<vmem>>) dst(%dma_wait3A_44 : memref<128x256xf32, #tpu.memory_space<hbm>>)
      tpu.yield
    }) : () -> ()
    return
  }
}

#map = affine_map<(d0, d1) -> (0, 0)>
module attributes {stable_mosaic.version = 14 : i64} {
  func.func @_gather_body(%arg0: i32, %arg1: i32, %arg2: memref<8192x256xf32, #tpu.memory_space<hbm>>, %arg3: memref<64x128xi32, #tpu.memory_space<hbm>>, %arg4: memref<8192x256xf32, #tpu.memory_space<hbm>>, %arg5: memref<2x128xi32, #tpu.memory_space<vmem>>, %arg6: memref<128x256xf32, #tpu.memory_space<vmem>>, %arg7: memref<!tpu.dma_semaphore, #tpu.memory_space<semaphore_mem>>) attributes {dimension_semantics = [#tpu.dimension_semantics<core_parallel>, #tpu.dimension_semantics<subcore_parallel>], iteration_bounds = array<i64: 2, 16>, scalar_prefetch = 0 : i64, scratch_operands = 3 : i64, tpu.core_type = #tpu.core_type<sc_vector_subcore>, window_params = [{transform_indices = #map}, {transform_indices = #map}, {transform_indices = #map}]} {
    %mul3A = arith.constant 2 : i32
    %mul3A_0 = arith.muli %arg1, %mul3A : i32
    %add3A = arith.addi %mul3A_0, %arg0 : i32
    %mul3A_1 = arith.constant 2 : i32
    %mul3A_2 = arith.muli %add3A, %mul3A_1 : i32
    "tpu.region"() ({
      %run_scoped3A = tpu.sem_alloc : memref<!tpu.dma_semaphore, #tpu.memory_space<semaphore_mem>>
      %dma_start3A_37 = arith.constant 0 : i32
      %dma_start3A_38 = tpu.memref_slice %arg3[%mul3A_2, %dma_start3A_37] : memref<64x128xi32, #tpu.memory_space<hbm>> -> memref<2x128xi32, #tpu.memory_space<hbm>>
      %dma_start3A_39 = arith.constant 0 : i32
      %dma_start3A_40 = tpu.memref_slice %arg3[%mul3A_2, %dma_start3A_39] : memref<64x128xi32, #tpu.memory_space<hbm>> -> memref<2x128xi32, #tpu.memory_space<hbm>>
      tpu.enqueue_dma source(%dma_start3A_40 : memref<2x128xi32, #tpu.memory_space<hbm>>) target(%arg5 : memref<2x128xi32, #tpu.memory_space<vmem>>) target_semaphore(%run_scoped3A : memref<!tpu.dma_semaphore, #tpu.memory_space<semaphore_mem>>)
      %dma_wait3A_41 = arith.constant 0 : i32
      %dma_wait3A_42 = tpu.memref_slice %arg3[%mul3A_2, %dma_wait3A_41] : memref<64x128xi32, #tpu.memory_space<hbm>> -> memref<2x128xi32, #tpu.memory_space<hbm>>
      %dma_wait3A_43 = arith.constant 0 : i32
      %dma_wait3A_44 = tpu.memref_slice %arg3[%mul3A_2, %dma_wait3A_43] : memref<64x128xi32, #tpu.memory_space<hbm>> -> memref<2x128xi32, #tpu.memory_space<hbm>>
      tpu.wait_dma2 semaphore(%run_scoped3A : memref<!tpu.dma_semaphore, #tpu.memory_space<semaphore_mem>>) src(%dma_wait3A_44 : memref<2x128xi32, #tpu.memory_space<hbm>>) dst(%arg5 : memref<2x128xi32, #tpu.memory_space<vmem>>)
      tpu.yield
    }) : () -> ()
    %dma_start3A = arith.constant 0 : i32
    %dma_start3A_3 = arith.constant 0 : i32
    %dma_start3A_4 = tpu.memref_slice %arg5[%dma_start3A, %dma_start3A_3] : memref<2x128xi32, #tpu.memory_space<vmem>> -> memref<1x128xi32, #tpu.memory_space<vmem>>
    %dma_start3A_5 = tpu.memref_squeeze %dma_start3A_4 : memref<1x128xi32, #tpu.memory_space<vmem>> -> memref<128xi32, #tpu.memory_space<vmem>>
    %dma_start3A_6 = arith.constant 0 : i32
    %dma_start3A_7 = arith.constant 0 : i32
    %dma_start3A_8 = tpu.memref_slice %arg2[%dma_start3A_6, %dma_start3A_7] : memref<8192x256xf32, #tpu.memory_space<hbm>> -> memref<8192x256xf32, #tpu.memory_space<hbm>>
    tpu.enqueue_indirect_dma source(%dma_start3A_8 : memref<8192x256xf32, #tpu.memory_space<hbm>>) target(%arg6 : memref<128x256xf32, #tpu.memory_space<vmem>>) offsets(%dma_start3A_5 : memref<128xi32, #tpu.memory_space<vmem>>) semaphore(%arg7 : memref<!tpu.dma_semaphore, #tpu.memory_space<semaphore_mem>>)
    %dma_wait3A = arith.constant 0 : i32
    %dma_wait3A_9 = arith.constant 0 : i32
    %dma_wait3A_10 = tpu.memref_slice %arg5[%dma_wait3A, %dma_wait3A_9] : memref<2x128xi32, #tpu.memory_space<vmem>> -> memref<1x128xi32, #tpu.memory_space<vmem>>
    %dma_wait3A_11 = tpu.memref_squeeze %dma_wait3A_10 : memref<1x128xi32, #tpu.memory_space<vmem>> -> memref<128xi32, #tpu.memory_space<vmem>>
    %dma_wait3A_12 = arith.constant 0 : i32
    %dma_wait3A_13 = arith.constant 0 : i32
    %dma_wait3A_14 = tpu.memref_slice %arg2[%dma_wait3A_12, %dma_wait3A_13] : memref<8192x256xf32, #tpu.memory_space<hbm>> -> memref<8192x256xf32, #tpu.memory_space<hbm>>
    tpu.wait_indirect_dma semaphore(%arg7 : memref<!tpu.dma_semaphore, #tpu.memory_space<semaphore_mem>>) src(%dma_wait3A_14 : memref<8192x256xf32, #tpu.memory_space<hbm>>) dst(%arg6 : memref<128x256xf32, #tpu.memory_space<vmem>>)
    %mul3A_15 = arith.constant 256 : i32
    %mul3A_16 = arith.muli %add3A, %mul3A_15 : i32
    %add3A_17 = arith.constant 0 : i32
    %add3A_18 = arith.addi %mul3A_16, %add3A_17 : i32
    "tpu.region"() ({
      %run_scoped3A = tpu.sem_alloc : memref<!tpu.dma_semaphore, #tpu.memory_space<semaphore_mem>>
      %dma_start3A_37 = arith.constant 0 : i32
      %dma_start3A_38 = tpu.memref_slice %arg4[%add3A_18, %dma_start3A_37] : memref<8192x256xf32, #tpu.memory_space<hbm>> -> memref<128x256xf32, #tpu.memory_space<hbm>>
      %dma_start3A_39 = arith.constant 0 : i32
      %dma_start3A_40 = tpu.memref_slice %arg4[%add3A_18, %dma_start3A_39] : memref<8192x256xf32, #tpu.memory_space<hbm>> -> memref<128x256xf32, #tpu.memory_space<hbm>>
      tpu.enqueue_dma source(%arg6 : memref<128x256xf32, #tpu.memory_space<vmem>>) target(%dma_start3A_40 : memref<128x256xf32, #tpu.memory_space<hbm>>) target_semaphore(%run_scoped3A : memref<!tpu.dma_semaphore, #tpu.memory_space<semaphore_mem>>)
      %dma_wait3A_41 = arith.constant 0 : i32
      %dma_wait3A_42 = tpu.memref_slice %arg4[%add3A_18, %dma_wait3A_41] : memref<8192x256xf32, #tpu.memory_space<hbm>> -> memref<128x256xf32, #tpu.memory_space<hbm>>
      %dma_wait3A_43 = arith.constant 0 : i32
      %dma_wait3A_44 = tpu.memref_slice %arg4[%add3A_18, %dma_wait3A_43] : memref<8192x256xf32, #tpu.memory_space<hbm>> -> memref<128x256xf32, #tpu.memory_space<hbm>>
      tpu.wait_dma2 semaphore(%run_scoped3A : memref<!tpu.dma_semaphore, #tpu.memory_space<semaphore_mem>>) src(%arg6 : memref<128x256xf32, #tpu.memory_space<vmem>>) dst(%dma_wait3A_44 : memref<128x256xf32, #tpu.memory_space<hbm>>)
      tpu.yield
    }) : () -> ()
    %dma_start3A_19 = arith.constant 1 : i32
    %dma_start3A_20 = arith.constant 0 : i32
    %dma_start3A_21 = tpu.memref_slice %arg5[%dma_start3A_19, %dma_start3A_20] : memref<2x128xi32, #tpu.memory_space<vmem>> -> memref<1x128xi32, #tpu.memory_space<vmem>>
    %dma_start3A_22 = tpu.memref_squeeze %dma_start3A_21 : memref<1x128xi32, #tpu.memory_space<vmem>> -> memref<128xi32, #tpu.memory_space<vmem>>
    %dma_start3A_23 = arith.constant 0 : i32
    %dma_start3A_24 = arith.constant 0 : i32
    %dma_start3A_25 = tpu.memref_slice %arg2[%dma_start3A_23, %dma_start3A_24] : memref<8192x256xf32, #tpu.memory_space<hbm>> -> memref<8192x256xf32, #tpu.memory_space<hbm>>
    tpu.enqueue_indirect_dma source(%dma_start3A_25 : memref<8192x256xf32, #tpu.memory_space<hbm>>) target(%arg6 : memref<128x256xf32, #tpu.memory_space<vmem>>) offsets(%dma_start3A_22 : memref<128xi32, #tpu.memory_space<vmem>>) semaphore(%arg7 : memref<!tpu.dma_semaphore, #tpu.memory_space<semaphore_mem>>)
    %dma_wait3A_26 = arith.constant 1 : i32
    %dma_wait3A_27 = arith.constant 0 : i32
    %dma_wait3A_28 = tpu.memref_slice %arg5[%dma_wait3A_26, %dma_wait3A_27] : memref<2x128xi32, #tpu.memory_space<vmem>> -> memref<1x128xi32, #tpu.memory_space<vmem>>
    %dma_wait3A_29 = tpu.memref_squeeze %dma_wait3A_28 : memref<1x128xi32, #tpu.memory_space<vmem>> -> memref<128xi32, #tpu.memory_space<vmem>>
    %dma_wait3A_30 = arith.constant 0 : i32
    %dma_wait3A_31 = arith.constant 0 : i32
    %dma_wait3A_32 = tpu.memref_slice %arg2[%dma_wait3A_30, %dma_wait3A_31] : memref<8192x256xf32, #tpu.memory_space<hbm>> -> memref<8192x256xf32, #tpu.memory_space<hbm>>
    tpu.wait_indirect_dma semaphore(%arg7 : memref<!tpu.dma_semaphore, #tpu.memory_space<semaphore_mem>>) src(%dma_wait3A_32 : memref<8192x256xf32, #tpu.memory_space<hbm>>) dst(%arg6 : memref<128x256xf32, #tpu.memory_space<vmem>>)
    %mul3A_33 = arith.constant 256 : i32
    %mul3A_34 = arith.muli %add3A, %mul3A_33 : i32
    %add3A_35 = arith.constant 128 : i32
    %add3A_36 = arith.addi %mul3A_34, %add3A_35 : i32
    "tpu.region"() ({
      %run_scoped3A = tpu.sem_alloc : memref<!tpu.dma_semaphore, #tpu.memory_space<semaphore_mem>>
      %dma_start3A_37 = arith.constant 0 : i32
      %dma_start3A_38 = tpu.memref_slice %arg4[%add3A_36, %dma_start3A_37] : memref<8192x256xf32, #tpu.memory_space<hbm>> -> memref<128x256xf32, #tpu.memory_space<hbm>>
      %dma_start3A_39 = arith.constant 0 : i32
      %dma_start3A_40 = tpu.memref_slice %arg4[%add3A_36, %dma_start3A_39] : memref<8192x256xf32, #tpu.memory_space<hbm>> -> memref<128x256xf32, #tpu.memory_space<hbm>>
      tpu.enqueue_dma source(%arg6 : memref<128x256xf32, #tpu.memory_space<vmem>>) target(%dma_start3A_40 : memref<128x256xf32, #tpu.memory_space<hbm>>) target_semaphore(%run_scoped3A : memref<!tpu.dma_semaphore, #tpu.memory_space<semaphore_mem>>)
      %dma_wait3A_41 = arith.constant 0 : i32
      %dma_wait3A_42 = tpu.memref_slice %arg4[%add3A_36, %dma_wait3A_41] : memref<8192x256xf32, #tpu.memory_space<hbm>> -> memref<128x256xf32, #tpu.memory_space<hbm>>
      %dma_wait3A_43 = arith.constant 0 : i32
      %dma_wait3A_44 = tpu.memref_slice %arg4[%add3A_36, %dma_wait3A_43] : memref<8192x256xf32, #tpu.memory_space<hbm>> -> memref<128x256xf32, #tpu.memory_space<hbm>>
      tpu.wait_dma2 semaphore(%run_scoped3A : memref<!tpu.dma_semaphore, #tpu.memory_space<semaphore_mem>>) src(%arg6 : memref<128x256xf32, #tpu.memory_space<vmem>>) dst(%dma_wait3A_44 : memref<128x256xf32, #tpu.memory_space<hbm>>)
      tpu.yield
    }) : () -> ()
    return
  }
}

module attributes {stable_mosaic.version = 14 : i64} {
  func.func @_argmax_second_body(%arg0: i32, %arg1: memref<1024x256xf32, #tpu.memory_space<vmem>>, %arg2: memref<8192x256xf32, #tpu.memory_space<vmem>>, %arg3: memref<1x1x1024xi32, #tpu.memory_space<vmem>>) attributes {dimension_semantics = [#tpu.dimension_semantics<arbitrary>], iteration_bounds = array<i64: 8>, scalar_prefetch = 0 : i64, scratch_operands = 0 : i64, tpu.core_type = #tpu.core_type<tc>, window_params = [{transform_indices = @transform_0, window_bounds = array<i64: 1024, 256>}, {pipeline_mode = #tpu.pipeline_mode<synchronous>, transform_indices = @transform_1, window_bounds = array<i64: 8192, 256>}, {transform_indices = @transform_2, window_bounds = array<i64: 1, 1, 1024>}]} {
    %get3A = arith.constant 0 : index
    %get3A_0 = arith.constant 0 : index
    %get3A_1 = vector.load %arg2[%get3A, %get3A_0] : memref<8192x256xf32, #tpu.memory_space<vmem>>, vector<8192x256xf32>
    %get3A_2 = arith.constant 0 : index
    %get3A_3 = arith.constant 0 : index
    %get3A_4 = vector.load %arg1[%get3A_2, %get3A_3] : memref<1024x256xf32, #tpu.memory_space<vmem>>, vector<1024x256xf32>
    %mul3A = arith.mulf %get3A_4, %get3A_4 : vector<1024x256xf32>
    %reduce_sum3A = arith.constant dense<0.000000e+00> : vector<1024xf32>
    %reduce_sum3A_5 = vector.multi_reduction <add>, %mul3A, %reduce_sum3A [1] : vector<1024x256xf32> to vector<1024xf32>
    %broadcast_in_dim3A = vector.shape_cast %reduce_sum3A_5 : vector<1024xf32> to vector<1024x1xf32>
    %sqrt3A = math.sqrt %broadcast_in_dim3A : vector<1024x1xf32>
    %jit3A = arith.constant 9.99999993E-9 : f32
    %max3A = vector.broadcast %jit3A : f32 to vector<1024x1xf32>
    %max3A_6 = arith.maximumf %max3A, %sqrt3A : vector<1024x1xf32>
    %div3A = vector.broadcast %max3A_6 : vector<1024x1xf32> to vector<1024x256xf32>
    %div3A_7 = arith.divf %get3A_4, %div3A : vector<1024x256xf32>
    %dot_general3A = arith.constant dense<0.000000e+00> : vector<1024x8192xf32>
    %dot_general3A_8 = tpu.matmul %div3A_7, %get3A_1, %dot_general3A {dimension_numbers = #tpu.dot_dimension_numbers<[1], [1], [0], [0], [0, 0, 1, 0], [], []>, transpose_lhs_hint = false} : vector<1024x256xf32>, vector<8192x256xf32>, vector<1024x8192xf32> -> vector<1024x8192xf32>
    %argmax3A = tpu.reduce_index %dot_general3A_8 {axis = 1 : i32, kind = #tpu.reduction_kind<arg_max>} : vector<1024x8192xf32> -> vector<1024xi32>
    %swap3A = arith.constant 0 : index
    %swap3A_9 = arith.constant 0 : index
    %swap3A_10 = arith.constant 0 : index
    %swap3A_11 = vector.load %arg3[%swap3A, %swap3A_9, %swap3A_10] : memref<1x1x1024xi32, #tpu.memory_space<vmem>>, vector<1x1x1024xi32>
    %swap3A_12 = vector.shape_cast %swap3A_11 : vector<1x1x1024xi32> to vector<1024xi32>
    %swap3A_13 = vector.shape_cast %argmax3A : vector<1024xi32> to vector<1x1x1024xi32>
    tpu.vector_store %arg3[%swap3A, %swap3A_9, %swap3A_10], %swap3A_13 {strides = array<i32>} : memref<1x1x1024xi32, #tpu.memory_space<vmem>>, vector<1x1x1024xi32>,
    return
  }
  func.func @transform_0(%arg0: i32) -> (i32, i32) {
    %add3A = arith.constant 8 : i32
    %add3A_0 = arith.addi %arg0, %add3A : i32
    %c0_i32 = arith.constant 0 : i32
    %c0_i32_1 = arith.constant 0 : i32
    return %add3A_0, %c0_i32 : i32, i32
  }
  func.func @transform_1(%arg0: i32) -> (i32, i32) {
    %c0_i32 = arith.constant 0 : i32
    %c0_i32_0 = arith.constant 0 : i32
    %c0_i32_1 = arith.constant 0 : i32
    return %c0_i32, %c0_i32_0 : i32, i32
  }
  func.func @transform_2(%arg0: i32) -> (i32, i32, i32) {
    %c0_i32 = arith.constant 0 : i32
    %c0_i32_0 = arith.constant 0 : i32
    %c0_i32_1 = arith.constant 0 : i32
    return %arg0, %c0_i32, %c0_i32_0 : i32, i32, i32
  }
}

module attributes {stable_mosaic.version = 14 : i64} {
  func.func @_loss_second_body(%arg0: i32, %arg1: memref<2048x256xf32, #tpu.memory_space<vmem>>, %arg2: memref<512x8x128xf32, #tpu.memory_space<vmem>>, %arg3: memref<16384x256xf32, #tpu.memory_space<any>>, %arg4: memref<2048x256xf32, #tpu.memory_space<vmem>>, %arg5: memref<1x1xf32, #tpu.memory_space<smem>>) attributes {dimension_semantics = [#tpu.dimension_semantics<arbitrary>], iteration_bounds = array<i64: 4>, scalar_prefetch = 0 : i64, scratch_operands = 0 : i64, tpu.core_type = #tpu.core_type<tc>, window_params = [{transform_indices = @transform_0, window_bounds = array<i64: 2048, 256>}, {transform_indices = @transform_1, window_bounds = array<i64: 512, 8, 128>}, {}, {transform_indices = @transform_3, window_bounds = array<i64: 2048, 256>}, {transform_indices = @transform_4, window_bounds = array<i64: 1, 1>}]} {
    %get3A = arith.constant 0 : index
    %get3A_0 = arith.constant 0 : index
    %get3A_1 = arith.constant 0 : index
    %get3A_2 = vector.load %arg2[%get3A, %get3A_0, %get3A_1] : memref<512x8x128xf32, #tpu.memory_space<vmem>>, vector<512x8x128xf32>
    %reshape3A = vector.shape_cast %get3A_2 : vector<512x8x128xf32> to vector<2048x256xf32>
    %swap3A = arith.constant 0 : index
    %swap3A_3 = arith.constant 0 : index
    %swap3A_4 = vector.load %arg4[%swap3A, %swap3A_3] : memref<2048x256xf32, #tpu.memory_space<vmem>>, vector<2048x256xf32>
    tpu.vector_store %arg4[%swap3A, %swap3A_3], %reshape3A {strides = array<i32>} : memref<2048x256xf32, #tpu.memory_space<vmem>>, vector<2048x256xf32>,
    %get3A_5 = arith.constant 0 : index
    %get3A_6 = arith.constant 0 : index
    %get3A_7 = vector.load %arg1[%get3A_5, %get3A_6] : memref<2048x256xf32, #tpu.memory_space<vmem>>, vector<2048x256xf32>
    %sub3A = arith.subf %reshape3A, %get3A_7 : vector<2048x256xf32>
    %eq3A = arith.constant 0 : i32
    %eq3A_8 = arith.cmpi eq, %arg0, %eq3A : i32
    %convert_element_type3A = arith.extui %eq3A_8 : i1 to i32
    %cond3A = arith.constant 0 : i32
    %cond3A_9 = arith.cmpi ne, %convert_element_type3A, %cond3A : i32
    scf.if %cond3A_9 {
      %swap3A_20 = arith.constant 0.000000e+00 : f32
      %swap3A_21 = arith.constant 0 : index
      %swap3A_22 = arith.constant 0 : index
      %swap3A_23 = memref.load %arg5[%swap3A_21, %swap3A_22] : memref<1x1xf32, #tpu.memory_space<smem>>
      memref.store %swap3A_20, %arg5[%swap3A_21, %swap3A_22] : memref<1x1xf32, #tpu.memory_space<smem>>
    } else {
    }
    %get3A_10 = arith.constant 0 : index
    %get3A_11 = arith.constant 0 : index
    %get3A_12 = memref.load %arg5[%get3A_10, %get3A_11] : memref<1x1xf32, #tpu.memory_space<smem>>
    %mul3A = arith.mulf %sub3A, %sub3A : vector<2048x256xf32>
    %reduce_sum3A = vector.shape_cast %mul3A : vector<2048x256xf32> to vector<1x2048x256xf32>
    %reduce_sum3A_13 = arith.constant dense<0.000000e+00> : vector<1xf32>
    %reduce_sum3A_14 = vector.multi_reduction <add>, %reduce_sum3A, %reduce_sum3A_13 [1, 2] : vector<1x2048x256xf32> to vector<1xf32>
    %reduce_sum3A_15 = vector.shape_cast %reduce_sum3A_14 : vector<1xf32> to vector<1x1x1xf32>
    %reduce_sum3A_16 = vector.extract %reduce_sum3A_15[0, 0, 0] : f32 from vector<1x1x1xf32>
    %add3A = arith.addf %get3A_12, %reduce_sum3A_16 : f32
    %swap3A_17 = arith.constant 0 : index
    %swap3A_18 = arith.constant 0 : index
    %swap3A_19 = memref.load %arg5[%swap3A_17, %swap3A_18] : memref<1x1xf32, #tpu.memory_space<smem>>
    memref.store %add3A, %arg5[%swap3A_17, %swap3A_18] : memref<1x1xf32, #tpu.memory_space<smem>>
    return
  }
  func.func @transform_0(%arg0: i32) -> (i32, i32) {
    %add3A = arith.constant 4 : i32
    %add3A_0 = arith.addi %arg0, %add3A : i32
    %c0_i32 = arith.constant 0 : i32
    %c0_i32_1 = arith.constant 0 : i32
    return %add3A_0, %c0_i32 : i32, i32
  }
  func.func @transform_1(%arg0: i32) -> (i32, i32, i32) {
    %c0_i32 = arith.constant 0 : i32
    %c0_i32_0 = arith.constant 0 : i32
    %c0_i32_1 = arith.constant 0 : i32
    return %arg0, %c0_i32, %c0_i32_0 : i32, i32, i32
  }
  func.func @transform_3(%arg0: i32) -> (i32, i32) {
    %add3A = arith.constant 4 : i32
    %add3A_0 = arith.addi %arg0, %add3A : i32
    %c0_i32 = arith.constant 0 : i32
    %c0_i32_1 = arith.constant 0 : i32
    return %add3A_0, %c0_i32 : i32, i32
  }
  func.func @transform_4(%arg0: i32) -> (i32, i32) {
    %c0_i32 = arith.constant 0 : i32
    %c0_i32_0 = arith.constant 0 : i32
    %c0_i32_1 = arith.constant 0 : i32
    return %c0_i32, %c0_i32_0 : i32, i32
  }
}

module attributes {stable_mosaic.version = 14 : i64} {
  func.func @_loss_first_body(%arg0: i32, %arg1: memref<2048x256xf32, #tpu.memory_space<vmem>>, %arg2: memref<512x8x128xf32, #tpu.memory_space<vmem>>, %arg3: memref<2048x256xf32, #tpu.memory_space<vmem>>, %arg4: memref<1x1xf32, #tpu.memory_space<smem>>) attributes {dimension_semantics = [#tpu.dimension_semantics<arbitrary>], iteration_bounds = array<i64: 4>, scalar_prefetch = 0 : i64, scratch_operands = 0 : i64, tpu.core_type = #tpu.core_type<tc>, window_params = [{transform_indices = @transform_0, window_bounds = array<i64: 2048, 256>}, {transform_indices = @transform_1, window_bounds = array<i64: 512, 8, 128>}, {transform_indices = @transform_2, window_bounds = array<i64: 2048, 256>}, {transform_indices = @transform_3, window_bounds = array<i64: 1, 1>}]} {
    %get3A = arith.constant 0 : index
    %get3A_0 = arith.constant 0 : index
    %get3A_1 = arith.constant 0 : index
    %get3A_2 = vector.load %arg2[%get3A, %get3A_0, %get3A_1] : memref<512x8x128xf32, #tpu.memory_space<vmem>>, vector<512x8x128xf32>
    %reshape3A = vector.shape_cast %get3A_2 : vector<512x8x128xf32> to vector<2048x256xf32>
    %swap3A = arith.constant 0 : index
    %swap3A_3 = arith.constant 0 : index
    %swap3A_4 = vector.load %arg3[%swap3A, %swap3A_3] : memref<2048x256xf32, #tpu.memory_space<vmem>>, vector<2048x256xf32>
    tpu.vector_store %arg3[%swap3A, %swap3A_3], %reshape3A {strides = array<i32>} : memref<2048x256xf32, #tpu.memory_space<vmem>>, vector<2048x256xf32>,
    %get3A_5 = arith.constant 0 : index
    %get3A_6 = arith.constant 0 : index
    %get3A_7 = vector.load %arg1[%get3A_5, %get3A_6] : memref<2048x256xf32, #tpu.memory_space<vmem>>, vector<2048x256xf32>
    %sub3A = arith.subf %reshape3A, %get3A_7 : vector<2048x256xf32>
    %eq3A = arith.constant 0 : i32
    %eq3A_8 = arith.cmpi eq, %arg0, %eq3A : i32
    %convert_element_type3A = arith.extui %eq3A_8 : i1 to i32
    %cond3A = arith.constant 0 : i32
    %cond3A_9 = arith.cmpi ne, %convert_element_type3A, %cond3A : i32
    scf.if %cond3A_9 {
      %swap3A_20 = arith.constant 0.000000e+00 : f32
      %swap3A_21 = arith.constant 0 : index
      %swap3A_22 = arith.constant 0 : index
      %swap3A_23 = memref.load %arg4[%swap3A_21, %swap3A_22] : memref<1x1xf32, #tpu.memory_space<smem>>
      memref.store %swap3A_20, %arg4[%swap3A_21, %swap3A_22] : memref<1x1xf32, #tpu.memory_space<smem>>
    } else {
    }
    %get3A_10 = arith.constant 0 : index
    %get3A_11 = arith.constant 0 : index
    %get3A_12 = memref.load %arg4[%get3A_10, %get3A_11] : memref<1x1xf32, #tpu.memory_space<smem>>
    %mul3A = arith.mulf %sub3A, %sub3A : vector<2048x256xf32>
    %reduce_sum3A = vector.shape_cast %mul3A : vector<2048x256xf32> to vector<1x2048x256xf32>
    %reduce_sum3A_13 = arith.constant dense<0.000000e+00> : vector<1xf32>
    %reduce_sum3A_14 = vector.multi_reduction <add>, %reduce_sum3A, %reduce_sum3A_13 [1, 2] : vector<1x2048x256xf32> to vector<1xf32>
    %reduce_sum3A_15 = vector.shape_cast %reduce_sum3A_14 : vector<1xf32> to vector<1x1x1xf32>
    %reduce_sum3A_16 = vector.extract %reduce_sum3A_15[0, 0, 0] : f32 from vector<1x1x1xf32>
    %add3A = arith.addf %get3A_12, %reduce_sum3A_16 : f32
    %swap3A_17 = arith.constant 0 : index
    %swap3A_18 = arith.constant 0 : index
    %swap3A_19 = memref.load %arg4[%swap3A_17, %swap3A_18] : memref<1x1xf32, #tpu.memory_space<smem>>
    memref.store %add3A, %arg4[%swap3A_17, %swap3A_18] : memref<1x1xf32, #tpu.memory_space<smem>>
    return
  }
  func.func @transform_0(%arg0: i32) -> (i32, i32) {
    %add3A = arith.constant 0 : i32
    %add3A_0 = arith.addi %arg0, %add3A : i32
    %c0_i32 = arith.constant 0 : i32
    %c0_i32_1 = arith.constant 0 : i32
    return %add3A_0, %c0_i32 : i32, i32
  }
  func.func @transform_1(%arg0: i32) -> (i32, i32, i32) {
    %c0_i32 = arith.constant 0 : i32
    %c0_i32_0 = arith.constant 0 : i32
    %c0_i32_1 = arith.constant 0 : i32
    return %arg0, %c0_i32, %c0_i32_0 : i32, i32, i32
  }
  func.func @transform_2(%arg0: i32) -> (i32, i32) {
    %add3A = arith.constant 0 : i32
    %add3A_0 = arith.addi %arg0, %add3A : i32
    %c0_i32 = arith.constant 0 : i32
    %c0_i32_1 = arith.constant 0 : i32
    return %add3A_0, %c0_i32 : i32, i32
  }
  func.func @transform_3(%arg0: i32) -> (i32, i32) {
    %c0_i32 = arith.constant 0 : i32
    %c0_i32_0 = arith.constant 0 : i32
    %c0_i32_1 = arith.constant 0 : i32
    return %c0_i32, %c0_i32_0 : i32, i32
  }
}

module attributes {stable_mosaic.version = 14 : i64} {
  func.func @_argmax_first_body(%arg0: i32, %arg1: memref<1024x256xf32, #tpu.memory_space<vmem>>, %arg2: memref<8192x256xf32, #tpu.memory_space<vmem>>, %arg3: memref<1x1x1024xi32, #tpu.memory_space<vmem>>, %arg4: memref<2048x8x128xf32, #tpu.memory_space<vmem>>, %arg5: memref<8192x256xf32, #tpu.memory_space<vmem>>) attributes {dimension_semantics = [#tpu.dimension_semantics<arbitrary>], iteration_bounds = array<i64: 8>, scalar_prefetch = 0 : i64, scratch_operands = 0 : i64, tpu.core_type = #tpu.core_type<tc>, window_params = [{transform_indices = @transform_0, window_bounds = array<i64: 1024, 256>}, {pipeline_mode = #tpu.pipeline_mode<synchronous>, transform_indices = @transform_1, window_bounds = array<i64: 8192, 256>}, {transform_indices = @transform_2, window_bounds = array<i64: 1, 1, 1024>}, {pipeline_mode = #tpu.pipeline_mode<synchronous>, transform_indices = @transform_3, window_bounds = array<i64: 2048, 8, 128>}, {pipeline_mode = #tpu.pipeline_mode<synchronous>, transform_indices = @transform_4, window_bounds = array<i64: 8192, 256>}]} {
    %eq3A = arith.constant 0 : i32
    %eq3A_0 = arith.cmpi eq, %arg0, %eq3A : i32
    %convert_element_type3A = arith.extui %eq3A_0 : i1 to i32
    %cond3A = arith.constant 0 : i32
    %cond3A_1 = arith.cmpi ne, %convert_element_type3A, %cond3A : i32
    scf.if %cond3A_1 {
      %get3A_16 = arith.constant 0 : index
      %get3A_17 = arith.constant 0 : index
      %get3A_18 = vector.load %arg2[%get3A_16, %get3A_17] : memref<8192x256xf32, #tpu.memory_space<vmem>>, vector<8192x256xf32>
      %mul3A_19 = arith.mulf %get3A_18, %get3A_18 : vector<8192x256xf32>
      %reduce_sum3A_20 = arith.constant dense<0.000000e+00> : vector<8192xf32>
      %reduce_sum3A_21 = vector.multi_reduction <add>, %mul3A_19, %reduce_sum3A_20 [1] : vector<8192x256xf32> to vector<8192xf32>
      %broadcast_in_dim3A_22 = vector.shape_cast %reduce_sum3A_21 : vector<8192xf32> to vector<8192x1xf32>
      %sqrt3A_23 = math.sqrt %broadcast_in_dim3A_22 : vector<8192x1xf32>
      %jit3A_24 = arith.constant 9.99999993E-9 : f32
      %max3A_25 = vector.broadcast %jit3A_24 : f32 to vector<8192x1xf32>
      %max3A_26 = arith.maximumf %max3A_25, %sqrt3A_23 : vector<8192x1xf32>
      %div3A_27 = vector.broadcast %max3A_26 : vector<8192x1xf32> to vector<8192x256xf32>
      %div3A_28 = arith.divf %get3A_18, %div3A_27 : vector<8192x256xf32>
      %swap3A_29 = arith.constant 0 : index
      %swap3A_30 = arith.constant 0 : index
      %swap3A_31 = vector.load %arg5[%swap3A_29, %swap3A_30] : memref<8192x256xf32, #tpu.memory_space<vmem>>, vector<8192x256xf32>
      tpu.vector_store %arg5[%swap3A_29, %swap3A_30], %div3A_28 {strides = array<i32>} : memref<8192x256xf32, #tpu.memory_space<vmem>>, vector<8192x256xf32>,
      %reshape3A = vector.shape_cast %get3A_18 : vector<8192x256xf32> to vector<2048x8x128xf32>
      %swap3A_32 = arith.constant 0 : index
      %swap3A_33 = arith.constant 0 : index
      %swap3A_34 = arith.constant 0 : index
      %swap3A_35 = vector.load %arg4[%swap3A_32, %swap3A_33, %swap3A_34] : memref<2048x8x128xf32, #tpu.memory_space<vmem>>, vector<2048x8x128xf32>
      tpu.vector_store %arg4[%swap3A_32, %swap3A_33, %swap3A_34], %reshape3A {strides = array<i32>} : memref<2048x8x128xf32, #tpu.memory_space<vmem>>, vector<2048x8x128xf32>,
    } else {
    }
    %get3A = arith.constant 0 : index
    %get3A_2 = arith.constant 0 : index
    %get3A_3 = vector.load %arg5[%get3A, %get3A_2] : memref<8192x256xf32, #tpu.memory_space<vmem>>, vector<8192x256xf32>
    %get3A_4 = arith.constant 0 : index
    %get3A_5 = arith.constant 0 : index
    %get3A_6 = vector.load %arg1[%get3A_4, %get3A_5] : memref<1024x256xf32, #tpu.memory_space<vmem>>, vector<1024x256xf32>
    %mul3A = arith.mulf %get3A_6, %get3A_6 : vector<1024x256xf32>
    %reduce_sum3A = arith.constant dense<0.000000e+00> : vector<1024xf32>
    %reduce_sum3A_7 = vector.multi_reduction <add>, %mul3A, %reduce_sum3A [1] : vector<1024x256xf32> to vector<1024xf32>
    %broadcast_in_dim3A = vector.shape_cast %reduce_sum3A_7 : vector<1024xf32> to vector<1024x1xf32>
    %sqrt3A = math.sqrt %broadcast_in_dim3A : vector<1024x1xf32>
    %jit3A = arith.constant 9.99999993E-9 : f32
    %max3A = vector.broadcast %jit3A : f32 to vector<1024x1xf32>
    %max3A_8 = arith.maximumf %max3A, %sqrt3A : vector<1024x1xf32>
    %div3A = vector.broadcast %max3A_8 : vector<1024x1xf32> to vector<1024x256xf32>
    %div3A_9 = arith.divf %get3A_6, %div3A : vector<1024x256xf32>
    %dot_general3A = arith.constant dense<0.000000e+00> : vector<1024x8192xf32>
    %dot_general3A_10 = tpu.matmul %div3A_9, %get3A_3, %dot_general3A {dimension_numbers = #tpu.dot_dimension_numbers<[1], [1], [0], [0], [0, 0, 1, 0], [], []>, transpose_lhs_hint = false} : vector<1024x256xf32>, vector<8192x256xf32>, vector<1024x8192xf32> -> vector<1024x8192xf32>
    %argmax3A = tpu.reduce_index %dot_general3A_10 {axis = 1 : i32, kind = #tpu.reduction_kind<arg_max>} : vector<1024x8192xf32> -> vector<1024xi32>
    %swap3A = arith.constant 0 : index
    %swap3A_11 = arith.constant 0 : index
    %swap3A_12 = arith.constant 0 : index
    %swap3A_13 = vector.load %arg3[%swap3A, %swap3A_11, %swap3A_12] : memref<1x1x1024xi32, #tpu.memory_space<vmem>>, vector<1x1x1024xi32>
    %swap3A_14 = vector.shape_cast %swap3A_13 : vector<1x1x1024xi32> to vector<1024xi32>
    %swap3A_15 = vector.shape_cast %argmax3A : vector<1024xi32> to vector<1x1x1024xi32>
    tpu.vector_store %arg3[%swap3A, %swap3A_11, %swap3A_12], %swap3A_15 {strides = array<i32>} : memref<1x1x1024xi32, #tpu.memory_space<vmem>>, vector<1x1x1024xi32>,
    return
  }
  func.func @transform_0(%arg0: i32) -> (i32, i32) {
    %c0_i32 = arith.constant 0 : i32
    %c0_i32_0 = arith.constant 0 : i32
    return %arg0, %c0_i32 : i32, i32
  }
  func.func @transform_1(%arg0: i32) -> (i32, i32) {
    %c0_i32 = arith.constant 0 : i32
    %c0_i32_0 = arith.constant 0 : i32
    %c0_i32_1 = arith.constant 0 : i32
    return %c0_i32, %c0_i32_0 : i32, i32
  }
  func.func @transform_2(%arg0: i32) -> (i32, i32, i32) {
    %c0_i32 = arith.constant 0 : i32
    %c0_i32_0 = arith.constant 0 : i32
    %c0_i32_1 = arith.constant 0 : i32
    return %arg0, %c0_i32, %c0_i32_0 : i32, i32, i32
  }
  func.func @transform_3(%arg0: i32) -> (i32, i32, i32) {
    %c0_i32 = arith.constant 0 : i32
    %c0_i32_0 = arith.constant 0 : i32
    %c0_i32_1 = arith.constant 0 : i32
    %c0_i32_2 = arith.constant 0 : i32
    return %c0_i32, %c0_i32_0, %c0_i32_1 : i32, i32, i32
  }
  func.func @transform_4(%arg0: i32) -> (i32, i32) {
    %c0_i32 = arith.constant 0 : i32
    %c0_i32_0 = arith.constant 0 : i32
    %c0_i32_1 = arith.constant 0 : i32
    return %c0_i32, %c0_i32_0 : i32, i32
  }
}

</mosaic_0001>

<sc_bundles>
// kernel: kernel.11.cloned.1.call-start
scs
__scs_entry_jumppad:
0x0: {  	(pc) =	sbr.rel $0x88, $3  }
0x1: {  	(tag) =	ssettag $0x0;
	lr =	simm.s32 $0x1  }
0x2: {  	[smem:$0x3F9F] =	sst lr;
	_ =	strace $0xD0000000  }
0x3: {  	_ = 	snop  }
0x4: {  	_ = 	snop  }
0x5: {  	_ = 	snop  }
0x6: {  	_ = 	snop  }
0x7: {  	_ = 	snop  }
__scs_overlays_trampoline_lowered:
0x8: {  	[smem:$0x3FAE] =	sst s0  }
0x9: {  	[smem:$0x3FAF] =	sst s1  }
0xa: {  	[smem:$0x3FB0] =	sst s2  }
0xb: {  	[smem:$0x3FB1] =	sst s3  }
0xc: {  	[smem:$0x3FB2] =	sst s4  }
0xd: {  	[smem:$0x3FB3] =	sst s5  }
0xe: {  	[smem:$0x3FB4] =	sst s6  }
0xf: {  	[smem:$0x3FB5] =	sst s7  }
0x10: {  	[smem:$0x3FB6] =	sst s8  }
0x11: {  	[smem:$0x3FB7] =	sst s9;
	s0 =	simm.s32 @!p0 $0x0  }
0x12: {  	s1 =	sld [smem:$0x3F9D];
	s0 =	simm.s32 @p0 $0x1  }
0x13: {  	[smem:$0x3FB8] =	sst s0;
	s0 =	simm.s32 @!p1 $0x0  }
0x14: {  	s2 =	sld [smem:$0x3F9C];
	s0 =	simm.s32 @p1 $0x1  }
0x15: {  	[smem:$0x3FB9] =	sst s0;
	s0 =	simm.s32 @!p2 $0x0  }
0x16: {  	s3 =	sld [smem:$0x3FDB];
	s0 =	simm.s32 @p2 $0x1  }
0x17: {  	s4 =	simm.s32 $0x1BF5;
	[smem:$0x3FBB] =	sst s0  }
0x18: {  	s0 =	sld [smem:$0x3F9E];
	_ =	swait.ge [sflag:s4], $0x0  }
0x19: {  	s7 =	sld [smem:$0x3F9F]  }
0x1a: {  	s8 =	sadd.s32 $0xFFFFE003, lr  }
0x1b: {  	s9 =	sadd.s32 $0xFFFFFEF7, lr;
	s5 =	simm.s32 $0xFFFFFFFF;
	p2 =	slt.u32 s8, $0xFFFFF086  }
0x1c: {  	p1 =	slt.u32 s9, $0xF7A;
	s5 =	simm.s32 @!p2 $0x0  }
0x1d: {  	s5 =	simm.s32 @p1 $0x1;
	p0 =	seq.s32 s7, s2  }
0x1e: {  	s7 =	smul.u32 @!p0 $0xF7A, s2;
	p2 =	seq.s32 @!p0 s5, $0x0  }
0x1f: {  	s9 =	smul.u32 $0xF7A, s1;
	s8 =	simm.s32 @!p0 $0x1BF5;
	p2 =	por !p2, p0  }
0x20: {  	[sflag:s8] =	ssyncset.s32 @!p0 $0xFFFFF086;
	s6 =	sadd.s32 @!p0 s3, s7;
	s7 =	simm.s32 @!p0 $0x108  }
0x21: {  	s3 =	sadd.s32 s3, s9;
	s6 =	sadd.s32 @!p0 $0x88, s6;
	s7 =	simm.s32 @p2 $0x1082  }
0x22: {  	[simem:s7], [sflag:s8] =	dma.local @!p0 [hbm:s6], $0xF7A  }
0x23: {  	s9 =	sor.u32 $0xD0000000, s2;
	s6 =	simm.s32 $0x108;
	_ =	swait.ge @!p0 [sflag:s8], $0x0  }
0x24: {  	s3 =	sadd.s32 $0x88, s3;
	s6 =	simm.s32 @!p1 $0x1082;
	[sflag:s4] =	ssyncset.s32 $0xFFFFF086  }
0x25: {  	[simem:s6], [sflag:s4] =	dma.local [hbm:s3], $0xF7A  }
0x26: {  	[smem:$0x3F9F] =	sst s1;
	(tag) =	ssettag s2;
	_ =	strace s9  }
0x27: {  	s1 =	sld [smem:$0x3FAF]  }
0x28: {  	s2 =	sld [smem:$0x3FB0]  }
0x29: {  	s4 =	sld [smem:$0x3FB2]  }
0x2a: {  	p0 =	seq.s32 s5, $0x0;
	s5 =	sld [smem:$0x3FB3]  }
0x2b: {  	s6 =	sld [smem:$0x3FB4]  }
0x2c: {  	s7 =	sld [smem:$0x3FB5]  }
0x2d: {  	s3 =	simm.s32 $0x108;
	s8 =	sld [smem:$0x3FB6]  }
0x2e: {  	s3 =	simm.s32 @!p0 $0x1082;
	s9 =	sld [smem:$0x3FB7]  }
0x2f: {  	lr =	sadd.s32 s0, s3;
	s0 =	sld [smem:$0x3FAE]  }
0x30: {  	s3 =	sld [smem:$0x3FB1]  }
0x31: {  	[smem:$0x3FBA] =	sst s10  }
0x32: {  	s10 =	sld [smem:$0x3FB8];
	_ =	sdelay $0x3  }
0x33: {  	p0 =	seq.s32 s10, $0x1;
	s10 =	sld [smem:$0x3FBA];
	_ =	sdelay $0x3  }
0x34: {  	[smem:$0x3FBA] =	sst s10  }
0x35: {  	s10 =	sld [smem:$0x3FB9];
	_ =	sdelay $0x3  }
0x36: {  	p1 =	seq.s32 s10, $0x1;
	s10 =	sld [smem:$0x3FBA];
	_ =	sdelay $0x3  }
0x37: {  	[smem:$0x3FBA] =	sst s10  }
0x38: {  	s10 =	sld [smem:$0x3FBB]  }
0x39: {  	_ = 	snop;
	(pc) =	sbr.ind lr, $3  }
0x3a: {  	_ = 	snop  }
0x3b: {  	_ = 	snop  }
0x3c: {  	p2 =	seq.s32 s10, $0x1;
	s10 =	sld [smem:$0x3FBA]  }
0x3d: {  	_ =	shalt  }
0x3e: {  	_ =	shalt  }
0x3f: {  	_ =	shalt  }
0x40: {  	_ =	shalt  }
0x41: {  	_ =	shalt  }
0x42: {  	_ =	shalt  }
0x43: {  	_ =	shalt  }
0x44: {  	_ =	shalt  }
0x45: {  	_ =	shalt  }
0x46: {  	_ =	shalt  }
0x47: {  	_ =	shalt  }
0x48: {  	_ =	shalt  }
0x49: {  	_ =	shalt  }
0x4a: {  	_ =	shalt  }
0x4b: {  	_ =	shalt  }
0x4c: {  	_ =	shalt  }
0x4d: {  	_ =	shalt  }
0x4e: {  	_ =	shalt  }
0x4f: {  	_ =	shalt  }
0x50: {  	_ =	shalt  }
0x51: {  	_ =	shalt  }
0x52: {  	_ =	shalt  }
0x53: {  	_ =	shalt  }
0x54: {  	_ =	shalt  }
0x55: {  	_ =	shalt  }
0x56: {  	_ =	shalt  }
0x57: {  	_ =	shalt  }
0x58: {  	_ =	shalt  }
0x59: {  	_ =	shalt  }
0x5a: {  	_ =	shalt  }
0x5b: {  	_ =	shalt  }
0x5c: {  	_ =	shalt  }
0x5d: {  	_ =	shalt  }
0x5e: {  	_ =	shalt  }
0x5f: {  	_ =	shalt  }
0x60: {  	_ =	shalt  }
0x61: {  	_ =	shalt  }
0x62: {  	_ =	shalt  }
0x63: {  	_ =	shalt  }
0x64: {  	_ =	shalt  }
0x65: {  	_ =	shalt  }
0x66: {  	_ =	shalt  }
0x67: {  	_ =	shalt  }
0x68: {  	_ =	shalt  }
0x69: {  	_ =	shalt  }
0x6a: {  	_ =	shalt  }
0x6b: {  	_ =	shalt  }
0x6c: {  	_ =	shalt  }
0x6d: {  	_ =	shalt  }
0x6e: {  	_ =	shalt  }
0x6f: {  	_ =	shalt  }
0x70: {  	_ =	shalt  }
0x71: {  	_ =	shalt  }
0x72: {  	_ =	shalt  }
0x73: {  	_ =	shalt  }
0x74: {  	_ =	shalt  }
0x75: {  	_ =	shalt  }
0x76: {  	_ =	shalt  }
0x77: {  	_ =	shalt  }
0x78: {  	_ =	shalt  }
0x79: {  	_ =	shalt  }
0x7a: {  	_ =	shalt  }
0x7b: {  	_ =	shalt  }
0x7c: {  	_ =	shalt  }
0x7d: {  	_ =	shalt  }
0x7e: {  	_ =	shalt  }
0x7f: {  	_ =	shalt  }
0x80: {  	_ =	shalt  }
0x81: {  	_ =	shalt  }
0x82: {  	_ =	shalt  }
0x83: {  	_ =	shalt  }
0x84: {  	_ =	shalt  }
0x85: {  	_ =	shalt  }
0x86: {  	_ =	shalt  }
0x87: {  	_ =	shalt  }
.Lfunc_end0:
.L_simem_size_0:
called_computation.1_lowered:
.L_overlay_start_0:
0x88: {  	s2 =	sld [smem:$0x3FD9]  }
0x89: {  	s3 =	sld [smem:$0x3FFE];
	_ =	sdelay $0x1  }
0x8a: {  	s1 =	srdreg.scid  }
0x8b: {  	s0 =	sand.u32 $0x1, s1  }
0x8c: {  	s17 =	sshll.u32 s0, $0xA;
	s2 =	sadd.s32 s3, s2  }
0x8d: {  	s2 =	sadd.s32 s2, s17  }
0x8e: {  	[smem:$0x3FC6] =	sst s2  }
0x8f: {  	_ = 	snop  }
0x90: {  	(tm) =	ssettm $0x1  }
0x91: {  	s18 =	sld [smem:$0x3FFB];
	_ =	sdelay $0x3  }
0x92: {  	_ =	strace s18  }
0x93: {  	s2 =	sld [smem:$0x3FFC];
	_ =	sdelay $0x3  }
0x94: {  	_ =	strace s2  }
0x95: {  	s2 =	sld [smem:$0x3FFD];
	_ =	sdelay $0x3  }
0x96: {  	_ =	strace s2  }
0x97: {  	_ =	strace $0x8FFFFFFF  }
0x98: {  	s19 =	sld [smem:$0x3FDB];
	_ =	sdelay $0x1  }
0x99: {  	s20 =	simm.s32 $_scs_section_size  }
0x9a: {  	s4 =	simm.s32 $_size__tile_overlayer_lowered;
	s5 =	simm.s32 $_tile_overlayer_lowered  }
0x9b: {  	s6 =	simm.s32 $0x1BFF;
	s21 =	sshll.u32 s5, $0x1;
	s3 =	sadd.s32 s20, s19  }
0x9c: {  	s22 =	simm.s32 $0x0;
	s4 =	sshll.u32 s4, $0x1;
	s5 =	sadd.s32 s21, s3  }
0x9d: {  	[timem:s22], [sflag:s6] =	dma.local [hbm:s5], s4  }
0x9e: {  	_ =	swait.ge [sflag:s6], s4  }
0x9f: {  	s4 =	ssub.s32 $0x0, s4;
	[sflag:s6] =	ssyncset.done $0x0  }
0xa0: {  	[sflag:s6] =	ssyncadd.s32 s4;
	_ =	sdelay $0x1  }
0xa1: {  	s23 =	simm.s32 $0x1B8B  }
0xa2: {  	_ =	swait.ge [sflag:s23], $0x1  }
0xa3: {  	[sflag:s23] =	ssyncset.done $0x0  }
0xa4: {  	[sflag:s23] =	ssyncadd.s32 $0xFFFFFFFF  }
0xa5: {  	s4 =	sld [smem:$0x0]  }
0xa6: {  	s5 =	sand.u32 $0xFFFFFFFE, s1  }
0xa7: {  	p0 =	sne.s32 s1, s5  }
0xa8: {  	s5 =	sshll.u32 @p0 s5, $0xE  }
0xa9: {  	s5 =	sadd.s32 @p0 $0x11B8D, s5;
	s6 =	sshll.u32 @p0 s4, $0x11  }
0xaa: {  	s5 =	sor.u32 @p0 s6, s5  }
0xab: {  	[sflag:s5] =	ssyncadd.remote.s32 @p0 $0x1;
	_ =	sdelay $0x1  }
0xac: {  	s5 =	simm.s32 @p0 $0x1B8D  }
0xad: {  	_ =	swait.eq @p0 [sflag:s5], $0x1  }
0xae: {  	[sflag:s5] =	ssyncadd.s32 @p0 $0xFFFFFFFF  }
0xaf: {  	s6 =	sshll.u32 @!p0 s1, $0xE  }
0xb0: {  	s6 =	sor.u32 @!p0 $0x4000, s6;
	s5 =	simm.s32 @!p0 $0x1B8D  }
0xb1: {  	s4 =	sshll.u32 @!p0 s4, $0x11;
	s6 =	sadd.s32 @!p0 $0x11B8D, s6;
	_ =	swait.eq @!p0 [sflag:s5], $0x1  }
0xb2: {  	s4 =	sor.u32 @!p0 s4, s6;
	[sflag:s5] =	ssyncadd.s32 @!p0 $0xFFFFFFFF  }
0xb3: {  	s25 =	simm.s32 $0x1B8E;
	s24 =	sld [smem:$0x3FFE];
	[sflag:s4] =	ssyncadd.remote.s32 @!p0 $0x1  }
0xb4: {  	s26 =	simm.s32 $execute0_lowered;
	[smem:$0x3FD2] =	sst s25  }
0xb5: {  	s5 =	sshll.u32 s26, $0x1;
	_ =	strace $0x80000049;
	[dreg:$0x1] =	wrdreg $0xFFFFFFFF  }
0xb6: {  	s28 =	simm.s32 $_size_execute0_lowered;
	s3 =	sadd.s32 s3, s5;
	[dreg:$0x0] =	wrdreg $0x0  }
0xb7: {  	s5 =	sshll.u32 s28, $0x1;
	[dreg:$0x2] =	wrdreg s3  }
0xb8: {  	[dreg:$0x3] =	wrdreg s5  }
0xb9: {  	[dreg:$0x4] =	wrdreg $0xC0  }
0xba: {  	_ =	task [dreg:s22], $0x5FFFF  }
0xbb: {  	[dreg:$0x1] =	wrdreg $0xFFFFFFFF  }
0xbc: {  	[dreg:$0x0] =	wrdreg $0x60  }
0xbd: {  	[dreg:$0x2] =	wrdreg s24  }
0xbe: {  	[dreg:$0x3] =	wrdreg $0xA  }
0xbf: {  	_ =	task.clear_ibuf [dreg:s22], $0x4FFFF;
	_ =	strace $0x90000049  }
0xc0: {  	s29 =	simm.s32 $0xA;
	_ =	strace $0x8000004B  }
0xc1: {  	_ =	swait.ge [sflag:s29], $0x1  }
0xc2: {  	[sflag:s29] =	ssyncadd.s32 $0xFFFFFFFF  }
0xc3: {  	_ =	strace $0x9000004B  }
0xc4: {  	_ =	sfence  }
0xc5: {  	s30 =	sld [smem:$0x0];
	_ =	sdelay $0x2  }
0xc6: {  	s31 =	sshll.u32 s1, $0xD;
	s1 =	sshrl.u32 s1, $0x2  }
0xc7: {  	s4 =	sand.u32 $0x4000, s31;
	s1 =	sadd.s32 s1, s30  }
0xc8: {  	s0 =	sor.u32 s4, s0;
	s1 =	sshll.u32 s1, $0x11  }
0xc9: {  	s0 =	sor.u32 s1, s0  }
0xca: {  	s0 =	sadd.s32 $0x8F2B, s0  }
0xcb: {  	[sflag:s0] =	ssyncadd.remote.s32 $0x1  }
0xcc: {  	_ =	sfence.sel $0xFFFF  }
0xcd: {  	[dreg:$0x0] =	wrdreg $0xFFFFFFFF;
	(pc) =	sbr.abs _section_cstart, $3  }
0xce: {  	[dreg:$0x1] =	wrdreg $0xFFFFFFFF  }
0xcf: {  	_ =	task.clear_ibuf [dreg:s22], $0x2FFFF;
	_ =	strace $0x9FFFFFFF  }
0xd0: {  	(tm) =	ssettm $0x7FFFFFFF  }
0xd1: {  	_ =	shalt  }
tec
execute0_lowered:
.L_overlay_start_1:
0x0: {  	(tag) =	ssettag $0x1  }
0x1: {  	s1 =	srdreg.scid;
	s0 =	stileid.u32  }
0x2: {  	s10 =	sand.u32 $0x1, s1;
	s30 =	sshll.u32 s0, $0x1  }
0x3: {  	s9 =	rddreg [dreg:$0x0];
	s11 =	sor.u32 s10, s30  }
0x4: {  	s2 =	simm.s32 $0x0;
	s1 =	rddreg [dreg:$0x1];
	s3 =	sshll.u32 s11, $0x5  }
0x5: {  	[smem:$0x7FF] =	sst s2;
	s3 =	sadd.s32 s3, s9  }
0x6: {  	_ =	strace $0x8000004A;
	s4 =	sadd.s32 $0x81600, s3;
	s3 =	simm.s32 $0x2  }
0x7: {  	[tilespmem:s2], [sflag:$0x2] =	stream.linear.gather [hbm4b:s4+s2], $0x100, $0x38;
	[tilespmem:$0x8100] =	vst v63  }
0x8: {  	_ =	swait.ge [sflag:s3], $0x100  }
0x9: {  	s6 =	simm.s32 $0x80;
	s7 =	simm.s32 $0x100;
	[sflag:s3] =	ssyncset.done $0x0  }
0xa: {  	s8 =	simm.s32 $0x1;
	s5 =	sadd.s32 $0x1600, s9;
	[sflag:s3] =	ssyncadd.s32 $0xFFFFFF00  }
0xb: {  	[tilespmem:s7], [sflag:$0x1] =	stream.indirect.gather [hbm4b:s5+s6], $0x100, s2, s6, $0xb8;
	[tilespmem:$0x8100] =	vst v63  }
0xc: {  	s11 =	sshll.u32 s11, $0xD;
	_ =	swait.ge [sflag:s8], $0x8000  }
0xd: {  	s11 =	sadd.s32 s11, s9;
	[sflag:s8] =	ssyncset.done $0x0  }
0xe: {  	s10 =	ssub.s32 $0x2, s10;
	s9 =	sadd.s32 $0x81A00, s11;
	[sflag:s8] =	ssyncadd.s32 $0xFFFF8000  }
0xf: {  	[hbm4b:s9+s2] =	stream.linear.scatter [tilespmem:s7], [sflag:$0x2], $0x8000, $0x38;
	[tilespmem:$0x8100] =	vst v63  }
0x10: {  	s12 =	sshrl.u32 s10, $0x1;
	_ =	swait.ge [sflag:s3], $0x8000  }
0x11: {  	s12 =	ssub.s32 s10, s12;
	[sflag:s3] =	ssyncset.done $0x0  }
0x12: {  	s31 =	smax.u32 s12, $0x1;
	[sflag:s3] =	ssyncadd.s32 $0xFFFF8000  }
0x13: {  	[tilespmem:s7], [sflag:$0x1] =	stream.indirect.gather [hbm4b:s5+s6], $0x100, s6, s6, $0xb8;
	[tilespmem:$0x8100] =	vst v63  }
0x14: {  	p0 =	sne.s32 s31, $0x1;
	_ =	swait.ge [sflag:s8], $0x8000  }
.Ltmp0:
0x15: {  	[sflag:s8] =	ssyncset.done $0x0;
	(pc) =	sbr.rel @!p0 .LBB2_2-.Ltmp0, $4  }
0x16: {  	s10 =	sadd.s32 $0x82A00, s11;
	[sflag:s8] =	ssyncadd.s32 $0xFFFF8000  }
0x17: {  	[hbm4b:s10+s2] =	stream.linear.scatter [tilespmem:s7], [sflag:$0x2], $0x8000, $0x38;
	[tilespmem:$0x8100] =	vst v63  }
0x18: {  	_ =	swait.ge [sflag:s3], $0x8000  }
0x19: {  	s11 =	sadd.s32 $0xFFFFFFFF, s31;
	[sflag:s3] =	ssyncset.done $0x0  }
.LBB2_1:
0x1a: {  	p0 =	sne.s32 s11, $0x1;
	s11 =	sadd.s32 $0xFFFFFFFF, s11;
	[sflag:s3] =	ssyncadd.s32 $0xFFFF8000  }
0x1b: {  	[tilespmem:s2], [sflag:$0x2] =	stream.linear.gather [hbm4b:s4+s2], $0x100, $0x38;
	[tilespmem:$0x8100] =	vst v63  }
0x1c: {  	_ =	swait.ge [sflag:s3], $0x100  }
0x1d: {  	[sflag:s3] =	ssyncset.done $0x0  }
0x1e: {  	[sflag:s3] =	ssyncadd.s32 $0xFFFFFF00  }
0x1f: {  	[tilespmem:s7], [sflag:$0x1] =	stream.indirect.gather [hbm4b:s5+s6], $0x100, s2, s6, $0xb8;
	[tilespmem:$0x8100] =	vst v63  }
0x20: {  	_ =	swait.ge [sflag:s8], $0x8000  }
0x21: {  	[sflag:s8] =	ssyncset.done $0x0  }
0x22: {  	[sflag:s8] =	ssyncadd.s32 $0xFFFF8000  }
0x23: {  	[hbm4b:s9+s2] =	stream.linear.scatter [tilespmem:s7], [sflag:$0x2], $0x8000, $0x38;
	[tilespmem:$0x8100] =	vst v63  }
0x24: {  	_ =	swait.ge [sflag:s3], $0x8000  }
0x25: {  	[sflag:s3] =	ssyncset.done $0x0  }
0x26: {  	[sflag:s3] =	ssyncadd.s32 $0xFFFF8000  }
0x27: {  	[tilespmem:s7], [sflag:$0x1] =	stream.indirect.gather [hbm4b:s5+s6], $0x100, s6, s6, $0xb8;
	[tilespmem:$0x8100] =	vst v63  }
0x28: {  	_ =	swait.ge [sflag:s8], $0x8000  }
.Ltmp1:
0x29: {  	[sflag:s8] =	ssyncset.done $0x0;
	(pc) =	sbr.rel @p0 .LBB2_1-.Ltmp1, $4  }
0x2a: {  	[sflag:s8] =	ssyncadd.s32 $0xFFFF8000  }
0x2b: {  	[hbm4b:s10+s2] =	stream.linear.scatter [tilespmem:s7], [sflag:$0x2], $0x8000, $0x38;
	[tilespmem:$0x8100] =	vst v63  }
0x2c: {  	_ =	swait.ge [sflag:s3], $0x8000  }
0x2d: {  	[sflag:s3] =	ssyncset.done $0x0  }
.LBB2_2:
0x2e: {  	[sflag:s3] =	ssyncadd.s32 $0xFFFF8000  }
0x2f: {  	_ =	sfence.sel $0x180000  }
0x30: {  	[bflag:$0x0] =	sbarrier.arrive $0xFFFF  }
0x31: {  	p0 =	sne.s32 s0, $0x0;
	_ =	strace $0x9000004A  }
0x32: {  	s0 =	sadd.s32 @!p0 $0x100000, s1;
	[bflag:$0x2] =	sbarrier.arrive $0xFFFF  }
0x33: {  	[sflag:s0] =	ssyncadd.tile.s32 @!p0 $0x1;
	_ =	shalt  }
.Lfunc_end2:
_tile_overlayer_lowered:
.L_overlay_start_2:
0x34: {  	(tag) =	ssettag $0x2  }
0x35: {  	s0 =	rddreg [dreg:$0x0];
	s2 =	stileid.u32  }
0x36: {  	s1 =	rddreg [dreg:$0x1];
	p0 =	sne.s32 s2, $0x0  }
0x37: {  	s3 =	rddreg [dreg:$0x2];
	[bflag:$0x3] =	sbarrier.arrive $0xFFFF;
	s2 =	simm.s32 @!p0 $0x1C02  }
0x38: {  	[timem:s3], [sflag:s2] =	dma.local @!p0 [hbm:s0], s1  }
0x39: {  	s0 =	simm.s32 @!p0 $0x2  }
0x3a: {  	_ =	swait.ge @!p0 [sflag:s0], s1  }
0x3b: {  	s1 =	ssub.s32 @!p0 $0x0, s1;
	[sflag:s0] =	ssyncset.done @!p0 $0x0  }
0x3c: {  	[sflag:s0] =	ssyncadd.s32 @!p0 s1  }
0x3d: {  	[bflag:$0x3] =	sbarrier.arrive $0xFFFF  }
0x3e: {  	_ =	shalt  }

// kernel: kernel.8.cloned.1.call-start
scs
__scs_entry_jumppad:
0x0: {  	(pc) =	sbr.rel $0x88, $3  }
0x1: {  	(tag) =	ssettag $0x0;
	lr =	simm.s32 $0x1  }
0x2: {  	[smem:$0x3F9F] =	sst lr;
	_ =	strace $0xD0000000  }
0x3: {  	_ = 	snop  }
0x4: {  	_ = 	snop  }
0x5: {  	_ = 	snop  }
0x6: {  	_ = 	snop  }
0x7: {  	_ = 	snop  }
__scs_overlays_trampoline_lowered:
0x8: {  	[smem:$0x3FAE] =	sst s0  }
0x9: {  	[smem:$0x3FAF] =	sst s1  }
0xa: {  	[smem:$0x3FB0] =	sst s2  }
0xb: {  	[smem:$0x3FB1] =	sst s3  }
0xc: {  	[smem:$0x3FB2] =	sst s4  }
0xd: {  	[smem:$0x3FB3] =	sst s5  }
0xe: {  	[smem:$0x3FB4] =	sst s6  }
0xf: {  	[smem:$0x3FB5] =	sst s7  }
0x10: {  	[smem:$0x3FB6] =	sst s8  }
0x11: {  	[smem:$0x3FB7] =	sst s9;
	s0 =	simm.s32 @!p0 $0x0  }
0x12: {  	s1 =	sld [smem:$0x3F9D];
	s0 =	simm.s32 @p0 $0x1  }
0x13: {  	[smem:$0x3FB8] =	sst s0;
	s0 =	simm.s32 @!p1 $0x0  }
0x14: {  	s2 =	sld [smem:$0x3F9C];
	s0 =	simm.s32 @p1 $0x1  }
0x15: {  	[smem:$0x3FB9] =	sst s0;
	s0 =	simm.s32 @!p2 $0x0  }
0x16: {  	s3 =	sld [smem:$0x3FDB];
	s0 =	simm.s32 @p2 $0x1  }
0x17: {  	s4 =	simm.s32 $0x1BF5;
	[smem:$0x3FBB] =	sst s0  }
0x18: {  	s0 =	sld [smem:$0x3F9E];
	_ =	swait.ge [sflag:s4], $0x0  }
0x19: {  	s7 =	sld [smem:$0x3F9F]  }
0x1a: {  	s8 =	sadd.s32 $0xFFFFE003, lr  }
0x1b: {  	s9 =	sadd.s32 $0xFFFFFEF7, lr;
	s5 =	simm.s32 $0xFFFFFFFF;
	p2 =	slt.u32 s8, $0xFFFFF086  }
0x1c: {  	p1 =	slt.u32 s9, $0xF7A;
	s5 =	simm.s32 @!p2 $0x0  }
0x1d: {  	s5 =	simm.s32 @p1 $0x1;
	p0 =	seq.s32 s7, s2  }
0x1e: {  	s7 =	smul.u32 @!p0 $0xF7A, s2;
	p2 =	seq.s32 @!p0 s5, $0x0  }
0x1f: {  	s9 =	smul.u32 $0xF7A, s1;
	s8 =	simm.s32 @!p0 $0x1BF5;
	p2 =	por !p2, p0  }
0x20: {  	[sflag:s8] =	ssyncset.s32 @!p0 $0xFFFFF086;
	s6 =	sadd.s32 @!p0 s3, s7;
	s7 =	simm.s32 @!p0 $0x108  }
0x21: {  	s3 =	sadd.s32 s3, s9;
	s6 =	sadd.s32 @!p0 $0x88, s6;
	s7 =	simm.s32 @p2 $0x1082  }
0x22: {  	[simem:s7], [sflag:s8] =	dma.local @!p0 [hbm:s6], $0xF7A  }
0x23: {  	s9 =	sor.u32 $0xD0000000, s2;
	s6 =	simm.s32 $0x108;
	_ =	swait.ge @!p0 [sflag:s8], $0x0  }
0x24: {  	s3 =	sadd.s32 $0x88, s3;
	s6 =	simm.s32 @!p1 $0x1082;
	[sflag:s4] =	ssyncset.s32 $0xFFFFF086  }
0x25: {  	[simem:s6], [sflag:s4] =	dma.local [hbm:s3], $0xF7A  }
0x26: {  	[smem:$0x3F9F] =	sst s1;
	(tag) =	ssettag s2;
	_ =	strace s9  }
0x27: {  	s1 =	sld [smem:$0x3FAF]  }
0x28: {  	s2 =	sld [smem:$0x3FB0]  }
0x29: {  	s4 =	sld [smem:$0x3FB2]  }
0x2a: {  	p0 =	seq.s32 s5, $0x0;
	s5 =	sld [smem:$0x3FB3]  }
0x2b: {  	s6 =	sld [smem:$0x3FB4]  }
0x2c: {  	s7 =	sld [smem:$0x3FB5]  }
0x2d: {  	s3 =	simm.s32 $0x108;
	s8 =	sld [smem:$0x3FB6]  }
0x2e: {  	s3 =	simm.s32 @!p0 $0x1082;
	s9 =	sld [smem:$0x3FB7]  }
0x2f: {  	lr =	sadd.s32 s0, s3;
	s0 =	sld [smem:$0x3FAE]  }
0x30: {  	s3 =	sld [smem:$0x3FB1]  }
0x31: {  	[smem:$0x3FBA] =	sst s10  }
0x32: {  	s10 =	sld [smem:$0x3FB8];
	_ =	sdelay $0x3  }
0x33: {  	p0 =	seq.s32 s10, $0x1;
	s10 =	sld [smem:$0x3FBA];
	_ =	sdelay $0x3  }
0x34: {  	[smem:$0x3FBA] =	sst s10  }
0x35: {  	s10 =	sld [smem:$0x3FB9];
	_ =	sdelay $0x3  }
0x36: {  	p1 =	seq.s32 s10, $0x1;
	s10 =	sld [smem:$0x3FBA];
	_ =	sdelay $0x3  }
0x37: {  	[smem:$0x3FBA] =	sst s10  }
0x38: {  	s10 =	sld [smem:$0x3FBB]  }
0x39: {  	_ = 	snop;
	(pc) =	sbr.ind lr, $3  }
0x3a: {  	_ = 	snop  }
0x3b: {  	_ = 	snop  }
0x3c: {  	p2 =	seq.s32 s10, $0x1;
	s10 =	sld [smem:$0x3FBA]  }
0x3d: {  	_ =	shalt  }
0x3e: {  	_ =	shalt  }
0x3f: {  	_ =	shalt  }
0x40: {  	_ =	shalt  }
0x41: {  	_ =	shalt  }
0x42: {  	_ =	shalt  }
0x43: {  	_ =	shalt  }
0x44: {  	_ =	shalt  }
0x45: {  	_ =	shalt  }
0x46: {  	_ =	shalt  }
0x47: {  	_ =	shalt  }
0x48: {  	_ =	shalt  }
0x49: {  	_ =	shalt  }
0x4a: {  	_ =	shalt  }
0x4b: {  	_ =	shalt  }
0x4c: {  	_ =	shalt  }
0x4d: {  	_ =	shalt  }
0x4e: {  	_ =	shalt  }
0x4f: {  	_ =	shalt  }
0x50: {  	_ =	shalt  }
0x51: {  	_ =	shalt  }
0x52: {  	_ =	shalt  }
0x53: {  	_ =	shalt  }
0x54: {  	_ =	shalt  }
0x55: {  	_ =	shalt  }
0x56: {  	_ =	shalt  }
0x57: {  	_ =	shalt  }
0x58: {  	_ =	shalt  }
0x59: {  	_ =	shalt  }
0x5a: {  	_ =	shalt  }
0x5b: {  	_ =	shalt  }
0x5c: {  	_ =	shalt  }
0x5d: {  	_ =	shalt  }
0x5e: {  	_ =	shalt  }
0x5f: {  	_ =	shalt  }
0x60: {  	_ =	shalt  }
0x61: {  	_ =	shalt  }
0x62: {  	_ =	shalt  }
0x63: {  	_ =	shalt  }
0x64: {  	_ =	shalt  }
0x65: {  	_ =	shalt  }
0x66: {  	_ =	shalt  }
0x67: {  	_ =	shalt  }
0x68: {  	_ =	shalt  }
0x69: {  	_ =	shalt  }
0x6a: {  	_ =	shalt  }
0x6b: {  	_ =	shalt  }
0x6c: {  	_ =	shalt  }
0x6d: {  	_ =	shalt  }
0x6e: {  	_ =	shalt  }
0x6f: {  	_ =	shalt  }
0x70: {  	_ =	shalt  }
0x71: {  	_ =	shalt  }
0x72: {  	_ =	shalt  }
0x73: {  	_ =	shalt  }
0x74: {  	_ =	shalt  }
0x75: {  	_ =	shalt  }
0x76: {  	_ =	shalt  }
0x77: {  	_ =	shalt  }
0x78: {  	_ =	shalt  }
0x79: {  	_ =	shalt  }
0x7a: {  	_ =	shalt  }
0x7b: {  	_ =	shalt  }
0x7c: {  	_ =	shalt  }
0x7d: {  	_ =	shalt  }
0x7e: {  	_ =	shalt  }
0x7f: {  	_ =	shalt  }
0x80: {  	_ =	shalt  }
0x81: {  	_ =	shalt  }
0x82: {  	_ =	shalt  }
0x83: {  	_ =	shalt  }
0x84: {  	_ =	shalt  }
0x85: {  	_ =	shalt  }
0x86: {  	_ =	shalt  }
0x87: {  	_ =	shalt  }
.Lfunc_end0:
.L_simem_size_0:
called_computation_lowered:
.L_overlay_start_0:
0x88: {  	s2 =	sld [smem:$0x3FD9]  }
0x89: {  	s3 =	sld [smem:$0x3FFE];
	_ =	sdelay $0x1  }
0x8a: {  	s1 =	srdreg.scid  }
0x8b: {  	s0 =	sand.u32 $0x1, s1  }
0x8c: {  	s16 =	sshll.u32 s0, $0xA;
	s2 =	sadd.s32 s3, s2  }
0x8d: {  	s2 =	sadd.s32 s2, s16  }
0x8e: {  	[smem:$0x3FC6] =	sst s2  }
0x8f: {  	_ = 	snop  }
0x90: {  	(tm) =	ssettm $0x1  }
0x91: {  	s17 =	sld [smem:$0x3FFB];
	_ =	sdelay $0x3  }
0x92: {  	_ =	strace s17  }
0x93: {  	s2 =	sld [smem:$0x3FFC];
	_ =	sdelay $0x3  }
0x94: {  	_ =	strace s2  }
0x95: {  	s2 =	sld [smem:$0x3FFD];
	_ =	sdelay $0x3  }
0x96: {  	_ =	strace s2  }
0x97: {  	_ =	strace $0x8FFFFFFF  }
0x98: {  	s18 =	sld [smem:$0x3FDB];
	_ =	sdelay $0x1  }
0x99: {  	s19 =	simm.s32 $_scs_section_size  }
0x9a: {  	s4 =	simm.s32 $_size__tile_overlayer_lowered;
	s5 =	simm.s32 $_tile_overlayer_lowered  }
0x9b: {  	s22 =	simm.s32 $0x1BFF;
	s21 =	sshll.u32 s5, $0x1;
	s2 =	sadd.s32 s19, s18  }
0x9c: {  	s6 =	simm.s32 $0x0;
	s20 =	sshll.u32 s4, $0x1;
	s4 =	sadd.s32 s21, s2  }
0x9d: {  	[timem:s6], [sflag:s22] =	dma.local [hbm:s4], s20  }
0x9e: {  	_ =	swait.ge [sflag:s22], s20  }
0x9f: {  	s3 =	ssub.s32 $0x0, s20;
	[sflag:s22] =	ssyncset.done $0x0  }
0xa0: {  	[sflag:s22] =	ssyncadd.s32 s3;
	_ =	sdelay $0x1  }
0xa1: {  	s23 =	simm.s32 $0x1B8B  }
0xa2: {  	_ =	swait.ge [sflag:s23], $0x1  }
0xa3: {  	[sflag:s23] =	ssyncset.done $0x0  }
0xa4: {  	s25 =	simm.s32 $0x1B8E;
	s24 =	sld [smem:$0x3FFE];
	[sflag:s23] =	ssyncadd.s32 $0xFFFFFFFF  }
0xa5: {  	s26 =	simm.s32 $execute0_lowered;
	[smem:$0x3FD2] =	sst s25  }
0xa6: {  	s4 =	sshll.u32 s26, $0x1;
	_ =	strace $0x80000046;
	[dreg:$0x1] =	wrdreg $0xFFFFFFFF  }
0xa7: {  	s28 =	simm.s32 $_size_execute0_lowered;
	s2 =	sadd.s32 s2, s4;
	[dreg:$0x0] =	wrdreg $0x0  }
0xa8: {  	s4 =	sshll.u32 s28, $0x1;
	[dreg:$0x2] =	wrdreg s2  }
0xa9: {  	[dreg:$0x3] =	wrdreg s4  }
0xaa: {  	[dreg:$0x4] =	wrdreg $0xC0  }
0xab: {  	_ =	task [dreg:s6], $0x5FFFF  }
0xac: {  	[dreg:$0x1] =	wrdreg $0xFFFFFFFF  }
0xad: {  	[dreg:$0x0] =	wrdreg $0x60  }
0xae: {  	[dreg:$0x2] =	wrdreg s24  }
0xaf: {  	[dreg:$0x3] =	wrdreg $0x9  }
0xb0: {  	_ =	task.clear_ibuf [dreg:s6], $0x4FFFF;
	_ =	strace $0x90000046  }
0xb1: {  	s29 =	simm.s32 $0x9;
	_ =	strace $0x80000048  }
0xb2: {  	_ =	swait.ge [sflag:s29], $0x1  }
0xb3: {  	[sflag:s29] =	ssyncadd.s32 $0xFFFFFFFF  }
0xb4: {  	_ =	strace $0x90000048  }
0xb5: {  	_ =	sfence  }
0xb6: {  	s30 =	sld [smem:$0x0];
	_ =	sdelay $0x2  }
0xb7: {  	s31 =	sshll.u32 s1, $0xD;
	s1 =	sshrl.u32 s1, $0x2  }
0xb8: {  	s3 =	sand.u32 $0x4000, s31;
	s1 =	sadd.s32 s1, s30  }
0xb9: {  	s0 =	sor.u32 s3, s0;
	s1 =	sshll.u32 s1, $0x11  }
0xba: {  	s0 =	sor.u32 s1, s0  }
0xbb: {  	s0 =	sadd.s32 $0x8F2B, s0  }
0xbc: {  	[sflag:s0] =	ssyncadd.remote.s32 $0x1  }
0xbd: {  	_ =	sfence.sel $0xFFFF  }
0xbe: {  	[dreg:$0x0] =	wrdreg $0xFFFFFFFF;
	(pc) =	sbr.abs _section_cstart, $3  }
0xbf: {  	[dreg:$0x1] =	wrdreg $0xFFFFFFFF  }
0xc0: {  	_ =	task.clear_ibuf [dreg:s6], $0x2FFFF;
	_ =	strace $0x9FFFFFFF  }
0xc1: {  	(tm) =	ssettm $0x7FFFFFFF  }
tec
execute0_lowered:
.L_overlay_start_1:
0x0: {  	(tag) =	ssettag $0x1  }
0x1: {  	s1 =	srdreg.scid;
	s0 =	stileid.u32  }
0x2: {  	s10 =	sand.u32 $0x1, s1;
	s30 =	sshll.u32 s0, $0x1  }
0x3: {  	s9 =	rddreg [dreg:$0x0];
	s11 =	sor.u32 s10, s30  }
0x4: {  	s2 =	simm.s32 $0x0;
	s1 =	rddreg [dreg:$0x1];
	s3 =	sshll.u32 s11, $0x5  }
0x5: {  	[smem:$0x7FF] =	sst s2;
	s3 =	sadd.s32 s3, s9  }
0x6: {  	_ =	strace $0x80000047;
	s4 =	sadd.s32 $0x1200, s3;
	s3 =	simm.s32 $0x2  }
0x7: {  	[tilespmem:s2], [sflag:$0x2] =	stream.linear.gather [hbm4b:s4+s2], $0x100, $0x38;
	[tilespmem:$0x8100] =	vst v63  }
0x8: {  	_ =	swait.ge [sflag:s3], $0x100  }
0x9: {  	s6 =	simm.s32 $0x80;
	s7 =	simm.s32 $0x100;
	[sflag:s3] =	ssyncset.done $0x0  }
0xa: {  	s8 =	simm.s32 $0x1;
	s5 =	sadd.s32 $0x1600, s9;
	[sflag:s3] =	ssyncadd.s32 $0xFFFFFF00  }
0xb: {  	[tilespmem:s7], [sflag:$0x1] =	stream.indirect.gather [hbm4b:s5+s6], $0x100, s2, s6, $0xb8;
	[tilespmem:$0x8100] =	vst v63  }
0xc: {  	s11 =	sshll.u32 s11, $0xD;
	_ =	swait.ge [sflag:s8], $0x8000  }
0xd: {  	s11 =	sadd.s32 s11, s9;
	[sflag:s8] =	ssyncset.done $0x0  }
0xe: {  	s10 =	ssub.s32 $0x2, s10;
	s9 =	sadd.s32 $0x41600, s11;
	[sflag:s8] =	ssyncadd.s32 $0xFFFF8000  }
0xf: {  	[hbm4b:s9+s2] =	stream.linear.scatter [tilespmem:s7], [sflag:$0x2], $0x8000, $0x38;
	[tilespmem:$0x8100] =	vst v63  }
0x10: {  	s12 =	sshrl.u32 s10, $0x1;
	_ =	swait.ge [sflag:s3], $0x8000  }
0x11: {  	s12 =	ssub.s32 s10, s12;
	[sflag:s3] =	ssyncset.done $0x0  }
0x12: {  	s31 =	smax.u32 s12, $0x1;
	[sflag:s3] =	ssyncadd.s32 $0xFFFF8000  }
0x13: {  	[tilespmem:s7], [sflag:$0x1] =	stream.indirect.gather [hbm4b:s5+s6], $0x100, s6, s6, $0xb8;
	[tilespmem:$0x8100] =	vst v63  }
0x14: {  	p0 =	sne.s32 s31, $0x1;
	_ =	swait.ge [sflag:s8], $0x8000  }
.Ltmp0:
0x15: {  	[sflag:s8] =	ssyncset.done $0x0;
	(pc) =	sbr.rel @!p0 .LBB2_2-.Ltmp0, $4  }
0x16: {  	s10 =	sadd.s32 $0x42600, s11;
	[sflag:s8] =	ssyncadd.s32 $0xFFFF8000  }
0x17: {  	[hbm4b:s10+s2] =	stream.linear.scatter [tilespmem:s7], [sflag:$0x2], $0x8000, $0x38;
	[tilespmem:$0x8100] =	vst v63  }
0x18: {  	_ =	swait.ge [sflag:s3], $0x8000  }
0x19: {  	s11 =	sadd.s32 $0xFFFFFFFF, s31;
	[sflag:s3] =	ssyncset.done $0x0  }
.LBB2_1:
0x1a: {  	p0 =	sne.s32 s11, $0x1;
	s11 =	sadd.s32 $0xFFFFFFFF, s11;
	[sflag:s3] =	ssyncadd.s32 $0xFFFF8000  }
0x1b: {  	[tilespmem:s2], [sflag:$0x2] =	stream.linear.gather [hbm4b:s4+s2], $0x100, $0x38;
	[tilespmem:$0x8100] =	vst v63  }
0x1c: {  	_ =	swait.ge [sflag:s3], $0x100  }
0x1d: {  	[sflag:s3] =	ssyncset.done $0x0  }
0x1e: {  	[sflag:s3] =	ssyncadd.s32 $0xFFFFFF00  }
0x1f: {  	[tilespmem:s7], [sflag:$0x1] =	stream.indirect.gather [hbm4b:s5+s6], $0x100, s2, s6, $0xb8;
	[tilespmem:$0x8100] =	vst v63  }
0x20: {  	_ =	swait.ge [sflag:s8], $0x8000  }
0x21: {  	[sflag:s8] =	ssyncset.done $0x0  }
0x22: {  	[sflag:s8] =	ssyncadd.s32 $0xFFFF8000  }
0x23: {  	[hbm4b:s9+s2] =	stream.linear.scatter [tilespmem:s7], [sflag:$0x2], $0x8000, $0x38;
	[tilespmem:$0x8100] =	vst v63  }
0x24: {  	_ =	swait.ge [sflag:s3], $0x8000  }
0x25: {  	[sflag:s3] =	ssyncset.done $0x0  }
0x26: {  	[sflag:s3] =	ssyncadd.s32 $0xFFFF8000  }
0x27: {  	[tilespmem:s7], [sflag:$0x1] =	stream.indirect.gather [hbm4b:s5+s6], $0x100, s6, s6, $0xb8;
	[tilespmem:$0x8100] =	vst v63  }
0x28: {  	_ =	swait.ge [sflag:s8], $0x8000  }
.Ltmp1:
0x29: {  	[sflag:s8] =	ssyncset.done $0x0;
	(pc) =	sbr.rel @p0 .LBB2_1-.Ltmp1, $4  }
0x2a: {  	[sflag:s8] =	ssyncadd.s32 $0xFFFF8000  }
0x2b: {  	[hbm4b:s10+s2] =	stream.linear.scatter [tilespmem:s7], [sflag:$0x2], $0x8000, $0x38;
	[tilespmem:$0x8100] =	vst v63  }
0x2c: {  	_ =	swait.ge [sflag:s3], $0x8000  }
0x2d: {  	[sflag:s3] =	ssyncset.done $0x0  }
.LBB2_2:
0x2e: {  	[sflag:s3] =	ssyncadd.s32 $0xFFFF8000  }
0x2f: {  	_ =	sfence.sel $0x180000  }
0x30: {  	[bflag:$0x0] =	sbarrier.arrive $0xFFFF  }
0x31: {  	p0 =	sne.s32 s0, $0x0;
	_ =	strace $0x90000047  }
0x32: {  	s0 =	sadd.s32 @!p0 $0x100000, s1;
	[bflag:$0x2] =	sbarrier.arrive $0xFFFF  }
0x33: {  	[sflag:s0] =	ssyncadd.tile.s32 @!p0 $0x1;
	_ =	shalt  }
.Lfunc_end2:
_tile_overlayer_lowered:
.L_overlay_start_2:
0x34: {  	(tag) =	ssettag $0x2  }
0x35: {  	s0 =	rddreg [dreg:$0x0];
	s2 =	stileid.u32  }
0x36: {  	s1 =	rddreg [dreg:$0x1];
	p0 =	sne.s32 s2, $0x0  }
0x37: {  	s3 =	rddreg [dreg:$0x2];
	[bflag:$0x3] =	sbarrier.arrive $0xFFFF;
	s2 =	simm.s32 @!p0 $0x1C02  }
0x38: {  	[timem:s3], [sflag:s2] =	dma.local @!p0 [hbm:s0], s1  }
0x39: {  	s0 =	simm.s32 @!p0 $0x2  }
0x3a: {  	_ =	swait.ge @!p0 [sflag:s0], s1  }
0x3b: {  	s1 =	ssub.s32 @!p0 $0x0, s1;
	[sflag:s0] =	ssyncset.done @!p0 $0x0  }
0x3c: {  	[sflag:s0] =	ssyncadd.s32 @!p0 s1  }
0x3d: {  	[bflag:$0x3] =	sbarrier.arrive $0xFFFF  }
0x3e: {  	_ =	shalt  }

</sc_bundles>
